<compile_context>
chip_gen: v7x
topology: tpu7x:2x2x1
jax: 0.10.2.dev20260603
libtpu: 0.0.44.dev20260713+nightly
codegen_flags: <defaults>
</compile_context>

<pallas_src>
import functools

import jax
import jax.numpy as jnp
from jax import lax
from jax.experimental import pallas as pl
from jax.experimental.pallas import tpu as pltpu
from jax.experimental.pallas import tpu_sc as plsc

N = 200000
C = 64
K = 20
VOXEL_SIZE = 0.02
BLOCK = 20480

_NW = 32
_SC_CHUNK = 6256
_SC_LAST = N - (_NW - 1) * _SC_CHUNK
_CNT_OFF = 24


def _fused_kernel(feat_ref, coord_ref, w1_ref, b1_ref, w2_ref, b2_ref,
                  wseg_ref, bseg_ref, pow_ref,
                  logit_ref, center_ref, seg_ref, w_ref):
    i = pl.program_id(0)

    feat = feat_ref[...]

    logits = jnp.dot(wseg_ref[...], feat, preferred_element_type=jnp.float32)
    logits = logits + bseg_ref[...]
    logit_ref[...] = logits

    h = jnp.dot(w1_ref[...], feat, preferred_element_type=jnp.float32)
    h = jnp.maximum(h + b1_ref[...], 0.0)
    bias = jnp.dot(w2_ref[...], h, preferred_element_type=jnp.float32)
    center_ref[...] = coord_ref[...] * (1.0 / VOXEL_SIZE) + (bias + b2_ref[...])

    colmax = jnp.max(logits, axis=0, keepdims=True)
    is_max = (logits == colmax).astype(jnp.float32)
    exps = jnp.exp(logits - colmax)
    packed = jnp.sum(is_max * pow_ref[...], axis=0, keepdims=True)
    expo = (jax.lax.bitcast_convert_type(packed, jnp.int32) >> 23) - 127
    idx = (K - 1) - expo
    seg_ref[...] = idx.reshape(-1)

    conf = 1.0 / jnp.sum(exps, axis=0, keepdims=True)
    col = jax.lax.broadcasted_iota(jnp.int32, idx.shape, 1) + i * BLOCK
    maskb = jnp.logical_and(idx >= 2, col < N)
    w_ref[...] = jnp.where(maskb, conf, 0.0).reshape(-1)


@functools.partial(
    pl.kernel,
    mesh=plsc.VectorSubcoreMesh(core_axis_name="c", subcore_axis_name="s"),
    out_type=jax.ShapeDtypeStruct((_NW, 48, 16), jnp.float32),
    scratch_types=[
        pltpu.VMEM((_SC_CHUNK,), jnp.int32),
        pltpu.VMEM((_SC_CHUNK,), jnp.float32),
        pltpu.VMEM((48, 16), jnp.float32),
    ],
)
def _sc_bins(seg_hbm, w_hbm, out_hbm, seg_v, w_v, bins_v):
    wid = lax.axis_index("s") * 2 + lax.axis_index("c")
    base = wid * _SC_CHUNK

    zero = jnp.zeros((16,), jnp.float32)
    zi = jnp.zeros((16,), jnp.int32)
    for r in range(48):
        bins_v[r, :] = zero

    @pl.when(wid < _NW - 1)
    def _full():
        pltpu.sync_copy(seg_hbm.at[pl.ds(base, _SC_CHUNK)], seg_v)
        pltpu.sync_copy(w_hbm.at[pl.ds(base, _SC_CHUNK)], w_v)

    @pl.when(wid == _NW - 1)
    def _last():
        pltpu.sync_copy(seg_hbm.at[pl.ds(base, _SC_LAST)],
                        seg_v.at[pl.ds(0, _SC_LAST)])
        pltpu.sync_copy(w_hbm.at[pl.ds(base, _SC_LAST)],
                        w_v.at[pl.ds(0, _SC_LAST)])
        for t in range(_SC_LAST // 16, _SC_CHUNK // 16):
            seg_v[pl.ds(t * 16, 16)] = zi
            w_v[pl.ds(t * 16, 16)] = zero

    def body(j, carry):
        sc, cn = carry
        sv = seg_v[pl.ds(j * 16, 16)]
        wv = w_v[pl.ds(j * 16, 16)]
        sc2 = []
        cn2 = []
        for k in range(K):
            eq = sv == k
            sc2.append(sc[k] + jnp.where(eq, wv, 0.0))
            if k >= 2:
                cn2.append(cn[k - 2] + jnp.where(eq, 1.0, 0.0))
        return sc2, cn2

    init = ([zero] * K, [zero] * (K - 2))
    sc, cn = lax.fori_loop(0, _SC_CHUNK // 16, body, init)
    for k in range(K):
        bins_v[k, :] = sc[k]
    for k in range(2, K):
        bins_v[_CNT_OFF + k, :] = cn[k - 2]

    pltpu.sync_copy(bins_v, out_hbm.at[wid])


@jax.jit
def kernel(feat, coord, W1, b1, gamma, beta, rmean, rvar, W2, b2, Wseg, bseg):
    scale = gamma * jax.lax.rsqrt(rvar + 1e-3)
    w1t = W1.T * scale[:, None]
    b1t = ((b1 - rmean) * scale + beta)[:, None]
    w2t = W2.T * (1.0 / VOXEL_SIZE)
    b2t = (b2 * (1.0 / VOXEL_SIZE))[:, None]

    pw = jnp.asarray([float(1 << (K - 1 - j)) for j in range(K)],
                     jnp.float32)[:, None]

    grid = (N + BLOCK - 1) // BLOCK
    out_shape = (
        jax.ShapeDtypeStruct((K, N), jnp.float32),
        jax.ShapeDtypeStruct((3, N), jnp.float32),
        jax.ShapeDtypeStruct((N,), jnp.int32),
        jax.ShapeDtypeStruct((N,), jnp.float32),
    )
    logit_t, center_t, seg_t, w_t = pl.pallas_call(
        _fused_kernel,
        grid=(grid,),
        in_specs=[
            pl.BlockSpec((C, BLOCK), lambda i: (0, i)),
            pl.BlockSpec((3, BLOCK), lambda i: (0, i)),
            pl.BlockSpec((C, C), lambda i: (0, 0)),
            pl.BlockSpec((C, 1), lambda i: (0, 0)),
            pl.BlockSpec((3, C), lambda i: (0, 0)),
            pl.BlockSpec((3, 1), lambda i: (0, 0)),
            pl.BlockSpec((K, C), lambda i: (0, 0)),
            pl.BlockSpec((K, 1), lambda i: (0, 0)),
            pl.BlockSpec((K, 1), lambda i: (0, 0)),
        ],
        out_specs=[
            pl.BlockSpec((K, BLOCK), lambda i: (0, i)),
            pl.BlockSpec((3, BLOCK), lambda i: (0, i)),
            pl.BlockSpec((BLOCK,), lambda i: (i,)),
            pl.BlockSpec((BLOCK,), lambda i: (i,)),
        ],
        out_shape=out_shape,
        compiler_params=pltpu.CompilerParams(
            dimension_semantics=("arbitrary",),
        ),
    )(feat.T, coord.T, w1t, b1t, w2t, b2t, Wseg.T, bseg[:, None], pw)

    partials = _sc_bins(seg_t, w_t)
    sums = jnp.sum(partials, axis=(0, 2))
    mean_conf = sums[:K] / (sums[_CNT_OFF:_CNT_OFF + K] + 1e-8)

    return logit_t.T, center_t.T, seg_t, mean_conf

# --- scband reference (transcript-rebuilt; emitter-appended) ---
"""Pipeline reference for scband-point-group-32272384262310 (READ-ONLY COPY).

The authoritative reference and input builder live on the scoring server;
editing this copy changes nothing except your own understanding.
"""

import jax, jax.numpy as jnp
import numpy as np

N = 200000
C = 64
K = 20
VOXEL_SIZE = 0.02


def setup_inputs(seed: int = 0) -> dict:
    key = jax.random.key(seed)
    ks = jax.random.split(key, 10)
    feat = jax.random.normal(ks[0], (N, C), dtype=jnp.float32)
    coord = jax.random.uniform(ks[1], (N, 3), dtype=jnp.float32) * 10.0
    W1 = jax.random.normal(ks[2], (C, C), dtype=jnp.float32) * 0.05
    b1 = jnp.zeros((C,), dtype=jnp.float32)
    gamma = jnp.ones((C,), dtype=jnp.float32)
    beta = jnp.zeros((C,), dtype=jnp.float32)
    rmean = jnp.zeros((C,), dtype=jnp.float32)
    rvar = jnp.ones((C,), dtype=jnp.float32)
    W2 = jax.random.normal(ks[3], (C, 3), dtype=jnp.float32) * 0.05
    b2 = jnp.zeros((3,), dtype=jnp.float32)
    Wseg = jax.random.normal(ks[4], (C, K), dtype=jnp.float32) * 0.05
    bseg = jnp.zeros((K,), dtype=jnp.float32)
    return {
        "feat": feat, "coord": coord,
        "W1": W1, "b1": b1,
        "gamma": gamma, "beta": beta, "rmean": rmean, "rvar": rvar,
        "W2": W2, "b2": b2,
        "Wseg": Wseg, "bseg": bseg,
    }


def reference(feat, coord, W1, b1, gamma, beta, rmean, rvar, W2, b2, Wseg, bseg):
    # bias_head: Linear -> BatchNorm1d (eval-mode, eps=1e-3) -> ReLU -> Linear
    h = feat @ W1 + b1
    h = (h - rmean) * jax.lax.rsqrt(rvar + 1e-3) * gamma + beta
    h = jax.nn.relu(h)
    bias_pred = h @ W2 + b2
    # seg_head: Linear
    logit_pred = feat @ Wseg + bseg
    # pred_feat: shift points to predicted centers, voxelize
    center_pred = (coord + bias_pred) / VOXEL_SIZE
    probs = jax.nn.softmax(logit_pred, axis=-1)
    segment_pred = jnp.argmax(probs, axis=1)
    # segment_ignore_index = (-1, 0, 1); -1 never produced by argmax
    mask = jnp.logical_not((segment_pred == 0) | (segment_pred == 1))
    # per-point confidence of predicted class (gather) and per-class
    # mean confidence over kept points (scatter-add / segment_sum),
    # mirroring the proposal confidence averaging in pred_feat
    conf = jnp.take_along_axis(probs, segment_pred[:, None], axis=1)[:, 0]
    maskf = mask.astype(jnp.float32)
    class_scores = jax.ops.segment_sum(conf * maskf, segment_pred, num_segments=K)
    class_counts = jax.ops.segment_sum(maskf, segment_pred, num_segments=K)
    mean_conf = class_scores / (class_counts + 1e-8)
    return logit_pred, center_pred, segment_pred, mean_conf

if __name__ == "__main__":
    import jax
    _d = setup_inputs()
    print(jax.jit(kernel)(*tuple(_d.values())))

</pallas_src>

<mosaic_0001>
#map = affine_map<(d0, d1) -> (0)>
#map1 = affine_map<(d0, d1) -> (0, 0, 0)>
module attributes {stable_mosaic.version = 14 : i64} {
  func.func @_sc_bins(%arg0: i32, %arg1: i32, %arg2: memref<200000xi32, #tpu.memory_space<hbm>>, %arg3: memref<200000xf32, #tpu.memory_space<hbm>>, %arg4: memref<32x48x16xf32, #tpu.memory_space<hbm>>, %arg5: memref<6256xi32, #tpu.memory_space<vmem>>, %arg6: memref<6256xf32, #tpu.memory_space<vmem>>, %arg7: memref<48x16xf32, #tpu.memory_space<vmem>>) attributes {dimension_semantics = [#tpu.dimension_semantics<core_parallel>, #tpu.dimension_semantics<subcore_parallel>], iteration_bounds = array<i64: 2, 16>, scalar_prefetch = 0 : i64, scratch_operands = 3 : i64, tpu.core_type = #tpu.core_type<sc_vector_subcore>, window_params = [{transform_indices = #map}, {transform_indices = #map}, {transform_indices = #map1}]} {
    %mul3A = arith.constant 2 : i32
    %mul3A_0 = arith.muli %arg1, %mul3A : i32
    %add3A = arith.addi %mul3A_0, %arg0 : i32
    %mul3A_1 = arith.constant 6256 : i32
    %mul3A_2 = arith.muli %add3A, %mul3A_1 : i32
    %broadcast_in_dim3A = arith.constant 0.000000e+00 : f32
    %broadcast_in_dim3A_3 = vector.broadcast %broadcast_in_dim3A : f32 to vector<16xf32>
    %broadcast_in_dim3A_4 = arith.constant 0 : i32
    %broadcast_in_dim3A_5 = vector.broadcast %broadcast_in_dim3A_4 : i32 to vector<16xi32>
    %swap3A = arith.constant 0 : i32
    %swap3A_6 = arith.index_cast %swap3A : i32 to index
    %swap3A_7 = arith.constant 0 : index
    %swap3A_8 = tpu.vector_load %arg7[%swap3A_6, %swap3A_7] {strides = array<i32>} : memref<48x16xf32, #tpu.memory_space<vmem>>, vector<1x16xf32>,
    %swap3A_9 = vector.shape_cast %swap3A_8 : vector<1x16xf32> to vector<16xf32>
    %swap3A_10 = vector.shape_cast %broadcast_in_dim3A_3 : vector<16xf32> to vector<1x16xf32>
    tpu.vector_store %arg7[%swap3A_6, %swap3A_7], %swap3A_10 {strides = array<i32>} : memref<48x16xf32, #tpu.memory_space<vmem>>, vector<1x16xf32>,
    %swap3A_11 = arith.constant 1 : i32
    %swap3A_12 = arith.index_cast %swap3A_11 : i32 to index
    %swap3A_13 = arith.constant 0 : index
    %swap3A_14 = tpu.vector_load %arg7[%swap3A_12, %swap3A_13] {strides = array<i32>} : memref<48x16xf32, #tpu.memory_space<vmem>>, vector<1x16xf32>,
    %swap3A_15 = vector.shape_cast %swap3A_14 : vector<1x16xf32> to vector<16xf32>
    %swap3A_16 = vector.shape_cast %broadcast_in_dim3A_3 : vector<16xf32> to vector<1x16xf32>
    tpu.vector_store %arg7[%swap3A_12, %swap3A_13], %swap3A_16 {strides = array<i32>} : memref<48x16xf32, #tpu.memory_space<vmem>>, vector<1x16xf32>,
    %swap3A_17 = arith.constant 2 : i32
    %swap3A_18 = arith.index_cast %swap3A_17 : i32 to index
    %swap3A_19 = arith.constant 0 : index
    %swap3A_20 = tpu.vector_load %arg7[%swap3A_18, %swap3A_19] {strides = array<i32>} : memref<48x16xf32, #tpu.memory_space<vmem>>, vector<1x16xf32>,
    %swap3A_21 = vector.shape_cast %swap3A_20 : vector<1x16xf32> to vector<16xf32>
    %swap3A_22 = vector.shape_cast %broadcast_in_dim3A_3 : vector<16xf32> to vector<1x16xf32>
    tpu.vector_store %arg7[%swap3A_18, %swap3A_19], %swap3A_22 {strides = array<i32>} : memref<48x16xf32, #tpu.memory_space<vmem>>, vector<1x16xf32>,
    %swap3A_23 = arith.constant 3 : i32
    %swap3A_24 = arith.index_cast %swap3A_23 : i32 to index
    %swap3A_25 = arith.constant 0 : index
    %swap3A_26 = tpu.vector_load %arg7[%swap3A_24, %swap3A_25] {strides = array<i32>} : memref<48x16xf32, #tpu.memory_space<vmem>>, vector<1x16xf32>,
    %swap3A_27 = vector.shape_cast %swap3A_26 : vector<1x16xf32> to vector<16xf32>
    %swap3A_28 = vector.shape_cast %broadcast_in_dim3A_3 : vector<16xf32> to vector<1x16xf32>
    tpu.vector_store %arg7[%swap3A_24, %swap3A_25], %swap3A_28 {strides = array<i32>} : memref<48x16xf32, #tpu.memory_space<vmem>>, vector<1x16xf32>,
    %swap3A_29 = arith.constant 4 : i32
    %swap3A_30 = arith.index_cast %swap3A_29 : i32 to index
    %swap3A_31 = arith.constant 0 : index
    %swap3A_32 = tpu.vector_load %arg7[%swap3A_30, %swap3A_31] {strides = array<i32>} : memref<48x16xf32, #tpu.memory_space<vmem>>, vector<1x16xf32>,
    %swap3A_33 = vector.shape_cast %swap3A_32 : vector<1x16xf32> to vector<16xf32>
    %swap3A_34 = vector.shape_cast %broadcast_in_dim3A_3 : vector<16xf32> to vector<1x16xf32>
    tpu.vector_store %arg7[%swap3A_30, %swap3A_31], %swap3A_34 {strides = array<i32>} : memref<48x16xf32, #tpu.memory_space<vmem>>, vector<1x16xf32>,
    %swap3A_35 = arith.constant 5 : i32
    %swap3A_36 = arith.index_cast %swap3A_35 : i32 to index
    %swap3A_37 = arith.constant 0 : index
    %swap3A_38 = tpu.vector_load %arg7[%swap3A_36, %swap3A_37] {strides = array<i32>} : memref<48x16xf32, #tpu.memory_space<vmem>>, vector<1x16xf32>,
    %swap3A_39 = vector.shape_cast %swap3A_38 : vector<1x16xf32> to vector<16xf32>
    %swap3A_40 = vector.shape_cast %broadcast_in_dim3A_3 : vector<16xf32> to vector<1x16xf32>
    tpu.vector_store %arg7[%swap3A_36, %swap3A_37], %swap3A_40 {strides = array<i32>} : memref<48x16xf32, #tpu.memory_space<vmem>>, vector<1x16xf32>,
    %swap3A_41 = arith.constant 6 : i32
    %swap3A_42 = arith.index_cast %swap3A_41 : i32 to index
    %swap3A_43 = arith.constant 0 : index
    %swap3A_44 = tpu.vector_load %arg7[%swap3A_42, %swap3A_43] {strides = array<i32>} : memref<48x16xf32, #tpu.memory_space<vmem>>, vector<1x16xf32>,
    %swap3A_45 = vector.shape_cast %swap3A_44 : vector<1x16xf32> to vector<16xf32>
    %swap3A_46 = vector.shape_cast %broadcast_in_dim3A_3 : vector<16xf32> to vector<1x16xf32>
    tpu.vector_store %arg7[%swap3A_42, %swap3A_43], %swap3A_46 {strides = array<i32>} : memref<48x16xf32, #tpu.memory_space<vmem>>, vector<1x16xf32>,
    %swap3A_47 = arith.constant 7 : i32
    %swap3A_48 = arith.index_cast %swap3A_47 : i32 to index
    %swap3A_49 = arith.constant 0 : index
    %swap3A_50 = tpu.vector_load %arg7[%swap3A_48, %swap3A_49] {strides = array<i32>} : memref<48x16xf32, #tpu.memory_space<vmem>>, vector<1x16xf32>,
    %swap3A_51 = vector.shape_cast %swap3A_50 : vector<1x16xf32> to vector<16xf32>
    %swap3A_52 = vector.shape_cast %broadcast_in_dim3A_3 : vector<16xf32> to vector<1x16xf32>
    tpu.vector_store %arg7[%swap3A_48, %swap3A_49], %swap3A_52 {strides = array<i32>} : memref<48x16xf32, #tpu.memory_space<vmem>>, vector<1x16xf32>,
    %swap3A_53 = arith.constant 8 : i32
    %swap3A_54 = arith.index_cast %swap3A_53 : i32 to index
    %swap3A_55 = arith.constant 0 : index
    %swap3A_56 = tpu.vector_load %arg7[%swap3A_54, %swap3A_55] {strides = array<i32>} : memref<48x16xf32, #tpu.memory_space<vmem>>, vector<1x16xf32>,
    %swap3A_57 = vector.shape_cast %swap3A_56 : vector<1x16xf32> to vector<16xf32>
    %swap3A_58 = vector.shape_cast %broadcast_in_dim3A_3 : vector<16xf32> to vector<1x16xf32>
    tpu.vector_store %arg7[%swap3A_54, %swap3A_55], %swap3A_58 {strides = array<i32>} : memref<48x16xf32, #tpu.memory_space<vmem>>, vector<1x16xf32>,
    %swap3A_59 = arith.constant 9 : i32
    %swap3A_60 = arith.index_cast %swap3A_59 : i32 to index
    %swap3A_61 = arith.constant 0 : index
    %swap3A_62 = tpu.vector_load %arg7[%swap3A_60, %swap3A_61] {strides = array<i32>} : memref<48x16xf32, #tpu.memory_space<vmem>>, vector<1x16xf32>,
    %swap3A_63 = vector.shape_cast %swap3A_62 : vector<1x16xf32> to vector<16xf32>
    %swap3A_64 = vector.shape_cast %broadcast_in_dim3A_3 : vector<16xf32> to vector<1x16xf32>
    tpu.vector_store %arg7[%swap3A_60, %swap3A_61], %swap3A_64 {strides = array<i32>} : memref<48x16xf32, #tpu.memory_space<vmem>>, vector<1x16xf32>,
    %swap3A_65 = arith.constant 10 : i32
    %swap3A_66 = arith.index_cast %swap3A_65 : i32 to index
    %swap3A_67 = arith.constant 0 : index
    %swap3A_68 = tpu.vector_load %arg7[%swap3A_66, %swap3A_67] {strides = array<i32>} : memref<48x16xf32, #tpu.memory_space<vmem>>, vector<1x16xf32>,
    %swap3A_69 = vector.shape_cast %swap3A_68 : vector<1x16xf32> to vector<16xf32>
    %swap3A_70 = vector.shape_cast %broadcast_in_dim3A_3 : vector<16xf32> to vector<1x16xf32>
    tpu.vector_store %arg7[%swap3A_66, %swap3A_67], %swap3A_70 {strides = array<i32>} : memref<48x16xf32, #tpu.memory_space<vmem>>, vector<1x16xf32>,
    %swap3A_71 = arith.constant 11 : i32
    %swap3A_72 = arith.index_cast %swap3A_71 : i32 to index
    %swap3A_73 = arith.constant 0 : index
    %swap3A_74 = tpu.vector_load %arg7[%swap3A_72, %swap3A_73] {strides = array<i32>} : memref<48x16xf32, #tpu.memory_space<vmem>>, vector<1x16xf32>,
    %swap3A_75 = vector.shape_cast %swap3A_74 : vector<1x16xf32> to vector<16xf32>
    %swap3A_76 = vector.shape_cast %broadcast_in_dim3A_3 : vector<16xf32> to vector<1x16xf32>
    tpu.vector_store %arg7[%swap3A_72, %swap3A_73], %swap3A_76 {strides = array<i32>} : memref<48x16xf32, #tpu.memory_space<vmem>>, vector<1x16xf32>,
    %swap3A_77 = arith.constant 12 : i32
    %swap3A_78 = arith.index_cast %swap3A_77 : i32 to index
    %swap3A_79 = arith.constant 0 : index
    %swap3A_80 = tpu.vector_load %arg7[%swap3A_78, %swap3A_79] {strides = array<i32>} : memref<48x16xf32, #tpu.memory_space<vmem>>, vector<1x16xf32>,
    %swap3A_81 = vector.shape_cast %swap3A_80 : vector<1x16xf32> to vector<16xf32>
    %swap3A_82 = vector.shape_cast %broadcast_in_dim3A_3 : vector<16xf32> to vector<1x16xf32>
    tpu.vector_store %arg7[%swap3A_78, %swap3A_79], %swap3A_82 {strides = array<i32>} : memref<48x16xf32, #tpu.memory_space<vmem>>, vector<1x16xf32>,
    %swap3A_83 = arith.constant 13 : i32
    %swap3A_84 = arith.index_cast %swap3A_83 : i32 to index
    %swap3A_85 = arith.constant 0 : index
    %swap3A_86 = tpu.vector_load %arg7[%swap3A_84, %swap3A_85] {strides = array<i32>} : memref<48x16xf32, #tpu.memory_space<vmem>>, vector<1x16xf32>,
    %swap3A_87 = vector.shape_cast %swap3A_86 : vector<1x16xf32> to vector<16xf32>
    %swap3A_88 = vector.shape_cast %broadcast_in_dim3A_3 : vector<16xf32> to vector<1x16xf32>
    tpu.vector_store %arg7[%swap3A_84, %swap3A_85], %swap3A_88 {strides = array<i32>} : memref<48x16xf32, #tpu.memory_space<vmem>>, vector<1x16xf32>,
    %swap3A_89 = arith.constant 14 : i32
    %swap3A_90 = arith.index_cast %swap3A_89 : i32 to index
    %swap3A_91 = arith.constant 0 : index
    %swap3A_92 = tpu.vector_load %arg7[%swap3A_90, %swap3A_91] {strides = array<i32>} : memref<48x16xf32, #tpu.memory_space<vmem>>, vector<1x16xf32>,
    %swap3A_93 = vector.shape_cast %swap3A_92 : vector<1x16xf32> to vector<16xf32>
    %swap3A_94 = vector.shape_cast %broadcast_in_dim3A_3 : vector<16xf32> to vector<1x16xf32>
    tpu.vector_store %arg7[%swap3A_90, %swap3A_91], %swap3A_94 {strides = array<i32>} : memref<48x16xf32, #tpu.memory_space<vmem>>, vector<1x16xf32>,
    %swap3A_95 = arith.constant 15 : i32
    %swap3A_96 = arith.index_cast %swap3A_95 : i32 to index
    %swap3A_97 = arith.constant 0 : index
    %swap3A_98 = tpu.vector_load %arg7[%swap3A_96, %swap3A_97] {strides = array<i32>} : memref<48x16xf32, #tpu.memory_space<vmem>>, vector<1x16xf32>,
    %swap3A_99 = vector.shape_cast %swap3A_98 : vector<1x16xf32> to vector<16xf32>
    %swap3A_100 = vector.shape_cast %broadcast_in_dim3A_3 : vector<16xf32> to vector<1x16xf32>
    tpu.vector_store %arg7[%swap3A_96, %swap3A_97], %swap3A_100 {strides = array<i32>} : memref<48x16xf32, #tpu.memory_space<vmem>>, vector<1x16xf32>,
    %swap3A_101 = arith.constant 16 : i32
    %swap3A_102 = arith.index_cast %swap3A_101 : i32 to index
    %swap3A_103 = arith.constant 0 : index
    %swap3A_104 = tpu.vector_load %arg7[%swap3A_102, %swap3A_103] {strides = array<i32>} : memref<48x16xf32, #tpu.memory_space<vmem>>, vector<1x16xf32>,
    %swap3A_105 = vector.shape_cast %swap3A_104 : vector<1x16xf32> to vector<16xf32>
    %swap3A_106 = vector.shape_cast %broadcast_in_dim3A_3 : vector<16xf32> to vector<1x16xf32>
    tpu.vector_store %arg7[%swap3A_102, %swap3A_103], %swap3A_106 {strides = array<i32>} : memref<48x16xf32, #tpu.memory_space<vmem>>, vector<1x16xf32>,
    %swap3A_107 = arith.constant 17 : i32
    %swap3A_108 = arith.index_cast %swap3A_107 : i32 to index
    %swap3A_109 = arith.constant 0 : index
    %swap3A_110 = tpu.vector_load %arg7[%swap3A_108, %swap3A_109] {strides = array<i32>} : memref<48x16xf32, #tpu.memory_space<vmem>>, vector<1x16xf32>,
    %swap3A_111 = vector.shape_cast %swap3A_110 : vector<1x16xf32> to vector<16xf32>
    %swap3A_112 = vector.shape_cast %broadcast_in_dim3A_3 : vector<16xf32> to vector<1x16xf32>
    tpu.vector_store %arg7[%swap3A_108, %swap3A_109], %swap3A_112 {strides = array<i32>} : memref<48x16xf32, #tpu.memory_space<vmem>>, vector<1x16xf32>,
    %swap3A_113 = arith.constant 18 : i32
    %swap3A_114 = arith.index_cast %swap3A_113 : i32 to index
    %swap3A_115 = arith.constant 0 : index
    %swap3A_116 = tpu.vector_load %arg7[%swap3A_114, %swap3A_115] {strides = array<i32>} : memref<48x16xf32, #tpu.memory_space<vmem>>, vector<1x16xf32>,
    %swap3A_117 = vector.shape_cast %swap3A_116 : vector<1x16xf32> to vector<16xf32>
    %swap3A_118 = vector.shape_cast %broadcast_in_dim3A_3 : vector<16xf32> to vector<1x16xf32>
    tpu.vector_store %arg7[%swap3A_114, %swap3A_115], %swap3A_118 {strides = array<i32>} : memref<48x16xf32, #tpu.memory_space<vmem>>, vector<1x16xf32>,
    %swap3A_119 = arith.constant 19 : i32
    %swap3A_120 = arith.index_cast %swap3A_119 : i32 to index
    %swap3A_121 = arith.constant 0 : index
    %swap3A_122 = tpu.vector_load %arg7[%swap3A_120, %swap3A_121] {strides = array<i32>} : memref<48x16xf32, #tpu.memory_space<vmem>>, vector<1x16xf32>,
    %swap3A_123 = vector.shape_cast %swap3A_122 : vector<1x16xf32> to vector<16xf32>
    %swap3A_124 = vector.shape_cast %broadcast_in_dim3A_3 : vector<16xf32> to vector<1x16xf32>
    tpu.vector_store %arg7[%swap3A_120, %swap3A_121], %swap3A_124 {strides = array<i32>} : memref<48x16xf32, #tpu.memory_space<vmem>>, vector<1x16xf32>,
    %swap3A_125 = arith.constant 20 : i32
    %swap3A_126 = arith.index_cast %swap3A_125 : i32 to index
    %swap3A_127 = arith.constant 0 : index
    %swap3A_128 = tpu.vector_load %arg7[%swap3A_126, %swap3A_127] {strides = array<i32>} : memref<48x16xf32, #tpu.memory_space<vmem>>, vector<1x16xf32>,
    %swap3A_129 = vector.shape_cast %swap3A_128 : vector<1x16xf32> to vector<16xf32>
    %swap3A_130 = vector.shape_cast %broadcast_in_dim3A_3 : vector<16xf32> to vector<1x16xf32>
    tpu.vector_store %arg7[%swap3A_126, %swap3A_127], %swap3A_130 {strides = array<i32>} : memref<48x16xf32, #tpu.memory_space<vmem>>, vector<1x16xf32>,
    %swap3A_131 = arith.constant 21 : i32
    %swap3A_132 = arith.index_cast %swap3A_131 : i32 to index
    %swap3A_133 = arith.constant 0 : index
    %swap3A_134 = tpu.vector_load %arg7[%swap3A_132, %swap3A_133] {strides = array<i32>} : memref<48x16xf32, #tpu.memory_space<vmem>>, vector<1x16xf32>,
    %swap3A_135 = vector.shape_cast %swap3A_134 : vector<1x16xf32> to vector<16xf32>
    %swap3A_136 = vector.shape_cast %broadcast_in_dim3A_3 : vector<16xf32> to vector<1x16xf32>
    tpu.vector_store %arg7[%swap3A_132, %swap3A_133], %swap3A_136 {strides = array<i32>} : memref<48x16xf32, #tpu.memory_space<vmem>>, vector<1x16xf32>,
    %swap3A_137 = arith.constant 22 : i32
    %swap3A_138 = arith.index_cast %swap3A_137 : i32 to index
    %swap3A_139 = arith.constant 0 : index
    %swap3A_140 = tpu.vector_load %arg7[%swap3A_138, %swap3A_139] {strides = array<i32>} : memref<48x16xf32, #tpu.memory_space<vmem>>, vector<1x16xf32>,
    %swap3A_141 = vector.shape_cast %swap3A_140 : vector<1x16xf32> to vector<16xf32>
    %swap3A_142 = vector.shape_cast %broadcast_in_dim3A_3 : vector<16xf32> to vector<1x16xf32>
    tpu.vector_store %arg7[%swap3A_138, %swap3A_139], %swap3A_142 {strides = array<i32>} : memref<48x16xf32, #tpu.memory_space<vmem>>, vector<1x16xf32>,
    %swap3A_143 = arith.constant 23 : i32
    %swap3A_144 = arith.index_cast %swap3A_143 : i32 to index
    %swap3A_145 = arith.constant 0 : index
    %swap3A_146 = tpu.vector_load %arg7[%swap3A_144, %swap3A_145] {strides = array<i32>} : memref<48x16xf32, #tpu.memory_space<vmem>>, vector<1x16xf32>,
    %swap3A_147 = vector.shape_cast %swap3A_146 : vector<1x16xf32> to vector<16xf32>
    %swap3A_148 = vector.shape_cast %broadcast_in_dim3A_3 : vector<16xf32> to vector<1x16xf32>
    tpu.vector_store %arg7[%swap3A_144, %swap3A_145], %swap3A_148 {strides = array<i32>} : memref<48x16xf32, #tpu.memory_space<vmem>>, vector<1x16xf32>,
    %swap3A_149 = arith.constant 24 : i32
    %swap3A_150 = arith.index_cast %swap3A_149 : i32 to index
    %swap3A_151 = arith.constant 0 : index
    %swap3A_152 = tpu.vector_load %arg7[%swap3A_150, %swap3A_151] {strides = array<i32>} : memref<48x16xf32, #tpu.memory_space<vmem>>, vector<1x16xf32>,
    %swap3A_153 = vector.shape_cast %swap3A_152 : vector<1x16xf32> to vector<16xf32>
    %swap3A_154 = vector.shape_cast %broadcast_in_dim3A_3 : vector<16xf32> to vector<1x16xf32>
    tpu.vector_store %arg7[%swap3A_150, %swap3A_151], %swap3A_154 {strides = array<i32>} : memref<48x16xf32, #tpu.memory_space<vmem>>, vector<1x16xf32>,
    %swap3A_155 = arith.constant 25 : i32
    %swap3A_156 = arith.index_cast %swap3A_155 : i32 to index
    %swap3A_157 = arith.constant 0 : index
    %swap3A_158 = tpu.vector_load %arg7[%swap3A_156, %swap3A_157] {strides = array<i32>} : memref<48x16xf32, #tpu.memory_space<vmem>>, vector<1x16xf32>,
    %swap3A_159 = vector.shape_cast %swap3A_158 : vector<1x16xf32> to vector<16xf32>
    %swap3A_160 = vector.shape_cast %broadcast_in_dim3A_3 : vector<16xf32> to vector<1x16xf32>
    tpu.vector_store %arg7[%swap3A_156, %swap3A_157], %swap3A_160 {strides = array<i32>} : memref<48x16xf32, #tpu.memory_space<vmem>>, vector<1x16xf32>,
    %swap3A_161 = arith.constant 26 : i32
    %swap3A_162 = arith.index_cast %swap3A_161 : i32 to index
    %swap3A_163 = arith.constant 0 : index
    %swap3A_164 = tpu.vector_load %arg7[%swap3A_162, %swap3A_163] {strides = array<i32>} : memref<48x16xf32, #tpu.memory_space<vmem>>, vector<1x16xf32>,
    %swap3A_165 = vector.shape_cast %swap3A_164 : vector<1x16xf32> to vector<16xf32>
    %swap3A_166 = vector.shape_cast %broadcast_in_dim3A_3 : vector<16xf32> to vector<1x16xf32>
    tpu.vector_store %arg7[%swap3A_162, %swap3A_163], %swap3A_166 {strides = array<i32>} : memref<48x16xf32, #tpu.memory_space<vmem>>, vector<1x16xf32>,
    %swap3A_167 = arith.constant 27 : i32
    %swap3A_168 = arith.index_cast %swap3A_167 : i32 to index
    %swap3A_169 = arith.constant 0 : index
    %swap3A_170 = tpu.vector_load %arg7[%swap3A_168, %swap3A_169] {strides = array<i32>} : memref<48x16xf32, #tpu.memory_space<vmem>>, vector<1x16xf32>,
    %swap3A_171 = vector.shape_cast %swap3A_170 : vector<1x16xf32> to vector<16xf32>
    %swap3A_172 = vector.shape_cast %broadcast_in_dim3A_3 : vector<16xf32> to vector<1x16xf32>
    tpu.vector_store %arg7[%swap3A_168, %swap3A_169], %swap3A_172 {strides = array<i32>} : memref<48x16xf32, #tpu.memory_space<vmem>>, vector<1x16xf32>,
    %swap3A_173 = arith.constant 28 : i32
    %swap3A_174 = arith.index_cast %swap3A_173 : i32 to index
    %swap3A_175 = arith.constant 0 : index
    %swap3A_176 = tpu.vector_load %arg7[%swap3A_174, %swap3A_175] {strides = array<i32>} : memref<48x16xf32, #tpu.memory_space<vmem>>, vector<1x16xf32>,
    %swap3A_177 = vector.shape_cast %swap3A_176 : vector<1x16xf32> to vector<16xf32>
    %swap3A_178 = vector.shape_cast %broadcast_in_dim3A_3 : vector<16xf32> to vector<1x16xf32>
    tpu.vector_store %arg7[%swap3A_174, %swap3A_175], %swap3A_178 {strides = array<i32>} : memref<48x16xf32, #tpu.memory_space<vmem>>, vector<1x16xf32>,
    %swap3A_179 = arith.constant 29 : i32
    %swap3A_180 = arith.index_cast %swap3A_179 : i32 to index
    %swap3A_181 = arith.constant 0 : index
    %swap3A_182 = tpu.vector_load %arg7[%swap3A_180, %swap3A_181] {strides = array<i32>} : memref<48x16xf32, #tpu.memory_space<vmem>>, vector<1x16xf32>,
    %swap3A_183 = vector.shape_cast %swap3A_182 : vector<1x16xf32> to vector<16xf32>
    %swap3A_184 = vector.shape_cast %broadcast_in_dim3A_3 : vector<16xf32> to vector<1x16xf32>
    tpu.vector_store %arg7[%swap3A_180, %swap3A_181], %swap3A_184 {strides = array<i32>} : memref<48x16xf32, #tpu.memory_space<vmem>>, vector<1x16xf32>,
    %swap3A_185 = arith.constant 30 : i32
    %swap3A_186 = arith.index_cast %swap3A_185 : i32 to index
    %swap3A_187 = arith.constant 0 : index
    %swap3A_188 = tpu.vector_load %arg7[%swap3A_186, %swap3A_187] {strides = array<i32>} : memref<48x16xf32, #tpu.memory_space<vmem>>, vector<1x16xf32>,
    %swap3A_189 = vector.shape_cast %swap3A_188 : vector<1x16xf32> to vector<16xf32>
    %swap3A_190 = vector.shape_cast %broadcast_in_dim3A_3 : vector<16xf32> to vector<1x16xf32>
    tpu.vector_store %arg7[%swap3A_186, %swap3A_187], %swap3A_190 {strides = array<i32>} : memref<48x16xf32, #tpu.memory_space<vmem>>, vector<1x16xf32>,
    %swap3A_191 = arith.constant 31 : i32
    %swap3A_192 = arith.index_cast %swap3A_191 : i32 to index
    %swap3A_193 = arith.constant 0 : index
    %swap3A_194 = tpu.vector_load %arg7[%swap3A_192, %swap3A_193] {strides = array<i32>} : memref<48x16xf32, #tpu.memory_space<vmem>>, vector<1x16xf32>,
    %swap3A_195 = vector.shape_cast %swap3A_194 : vector<1x16xf32> to vector<16xf32>
    %swap3A_196 = vector.shape_cast %broadcast_in_dim3A_3 : vector<16xf32> to vector<1x16xf32>
    tpu.vector_store %arg7[%swap3A_192, %swap3A_193], %swap3A_196 {strides = array<i32>} : memref<48x16xf32, #tpu.memory_space<vmem>>, vector<1x16xf32>,
    %swap3A_197 = arith.constant 32 : i32
    %swap3A_198 = arith.index_cast %swap3A_197 : i32 to index
    %swap3A_199 = arith.constant 0 : index
    %swap3A_200 = tpu.vector_load %arg7[%swap3A_198, %swap3A_199] {strides = array<i32>} : memref<48x16xf32, #tpu.memory_space<vmem>>, vector<1x16xf32>,
    %swap3A_201 = vector.shape_cast %swap3A_200 : vector<1x16xf32> to vector<16xf32>
    %swap3A_202 = vector.shape_cast %broadcast_in_dim3A_3 : vector<16xf32> to vector<1x16xf32>
    tpu.vector_store %arg7[%swap3A_198, %swap3A_199], %swap3A_202 {strides = array<i32>} : memref<48x16xf32, #tpu.memory_space<vmem>>, vector<1x16xf32>,
    %swap3A_203 = arith.constant 33 : i32
    %swap3A_204 = arith.index_cast %swap3A_203 : i32 to index
    %swap3A_205 = arith.constant 0 : index
    %swap3A_206 = tpu.vector_load %arg7[%swap3A_204, %swap3A_205] {strides = array<i32>} : memref<48x16xf32, #tpu.memory_space<vmem>>, vector<1x16xf32>,
    %swap3A_207 = vector.shape_cast %swap3A_206 : vector<1x16xf32> to vector<16xf32>
    %swap3A_208 = vector.shape_cast %broadcast_in_dim3A_3 : vector<16xf32> to vector<1x16xf32>
    tpu.vector_store %arg7[%swap3A_204, %swap3A_205], %swap3A_208 {strides = array<i32>} : memref<48x16xf32, #tpu.memory_space<vmem>>, vector<1x16xf32>,
    %swap3A_209 = arith.constant 34 : i32
    %swap3A_210 = arith.index_cast %swap3A_209 : i32 to index
    %swap3A_211 = arith.constant 0 : index
    %swap3A_212 = tpu.vector_load %arg7[%swap3A_210, %swap3A_211] {strides = array<i32>} : memref<48x16xf32, #tpu.memory_space<vmem>>, vector<1x16xf32>,
    %swap3A_213 = vector.shape_cast %swap3A_212 : vector<1x16xf32> to vector<16xf32>
    %swap3A_214 = vector.shape_cast %broadcast_in_dim3A_3 : vector<16xf32> to vector<1x16xf32>
    tpu.vector_store %arg7[%swap3A_210, %swap3A_211], %swap3A_214 {strides = array<i32>} : memref<48x16xf32, #tpu.memory_space<vmem>>, vector<1x16xf32>,
    %swap3A_215 = arith.constant 35 : i32
    %swap3A_216 = arith.index_cast %swap3A_215 : i32 to index
    %swap3A_217 = arith.constant 0 : index
    %swap3A_218 = tpu.vector_load %arg7[%swap3A_216, %swap3A_217] {strides = array<i32>} : memref<48x16xf32, #tpu.memory_space<vmem>>, vector<1x16xf32>,
    %swap3A_219 = vector.shape_cast %swap3A_218 : vector<1x16xf32> to vector<16xf32>
    %swap3A_220 = vector.shape_cast %broadcast_in_dim3A_3 : vector<16xf32> to vector<1x16xf32>
    tpu.vector_store %arg7[%swap3A_216, %swap3A_217], %swap3A_220 {strides = array<i32>} : memref<48x16xf32, #tpu.memory_space<vmem>>, vector<1x16xf32>,
    %swap3A_221 = arith.constant 36 : i32
    %swap3A_222 = arith.index_cast %swap3A_221 : i32 to index
    %swap3A_223 = arith.constant 0 : index
    %swap3A_224 = tpu.vector_load %arg7[%swap3A_222, %swap3A_223] {strides = array<i32>} : memref<48x16xf32, #tpu.memory_space<vmem>>, vector<1x16xf32>,
    %swap3A_225 = vector.shape_cast %swap3A_224 : vector<1x16xf32> to vector<16xf32>
    %swap3A_226 = vector.shape_cast %broadcast_in_dim3A_3 : vector<16xf32> to vector<1x16xf32>
    tpu.vector_store %arg7[%swap3A_222, %swap3A_223], %swap3A_226 {strides = array<i32>} : memref<48x16xf32, #tpu.memory_space<vmem>>, vector<1x16xf32>,
    %swap3A_227 = arith.constant 37 : i32
    %swap3A_228 = arith.index_cast %swap3A_227 : i32 to index
    %swap3A_229 = arith.constant 0 : index
    %swap3A_230 = tpu.vector_load %arg7[%swap3A_228, %swap3A_229] {strides = array<i32>} : memref<48x16xf32, #tpu.memory_space<vmem>>, vector<1x16xf32>,
    %swap3A_231 = vector.shape_cast %swap3A_230 : vector<1x16xf32> to vector<16xf32>
    %swap3A_232 = vector.shape_cast %broadcast_in_dim3A_3 : vector<16xf32> to vector<1x16xf32>
    tpu.vector_store %arg7[%swap3A_228, %swap3A_229], %swap3A_232 {strides = array<i32>} : memref<48x16xf32, #tpu.memory_space<vmem>>, vector<1x16xf32>,
    %swap3A_233 = arith.constant 38 : i32
    %swap3A_234 = arith.index_cast %swap3A_233 : i32 to index
    %swap3A_235 = arith.constant 0 : index
    %swap3A_236 = tpu.vector_load %arg7[%swap3A_234, %swap3A_235] {strides = array<i32>} : memref<48x16xf32, #tpu.memory_space<vmem>>, vector<1x16xf32>,
    %swap3A_237 = vector.shape_cast %swap3A_236 : vector<1x16xf32> to vector<16xf32>
    %swap3A_238 = vector.shape_cast %broadcast_in_dim3A_3 : vector<16xf32> to vector<1x16xf32>
    tpu.vector_store %arg7[%swap3A_234, %swap3A_235], %swap3A_238 {strides = array<i32>} : memref<48x16xf32, #tpu.memory_space<vmem>>, vector<1x16xf32>,
    %swap3A_239 = arith.constant 39 : i32
    %swap3A_240 = arith.index_cast %swap3A_239 : i32 to index
    %swap3A_241 = arith.constant 0 : index
    %swap3A_242 = tpu.vector_load %arg7[%swap3A_240, %swap3A_241] {strides = array<i32>} : memref<48x16xf32, #tpu.memory_space<vmem>>, vector<1x16xf32>,
    %swap3A_243 = vector.shape_cast %swap3A_242 : vector<1x16xf32> to vector<16xf32>
    %swap3A_244 = vector.shape_cast %broadcast_in_dim3A_3 : vector<16xf32> to vector<1x16xf32>
    tpu.vector_store %arg7[%swap3A_240, %swap3A_241], %swap3A_244 {strides = array<i32>} : memref<48x16xf32, #tpu.memory_space<vmem>>, vector<1x16xf32>,
    %swap3A_245 = arith.constant 40 : i32
    %swap3A_246 = arith.index_cast %swap3A_245 : i32 to index
    %swap3A_247 = arith.constant 0 : index
    %swap3A_248 = tpu.vector_load %arg7[%swap3A_246, %swap3A_247] {strides = array<i32>} : memref<48x16xf32, #tpu.memory_space<vmem>>, vector<1x16xf32>,
    %swap3A_249 = vector.shape_cast %swap3A_248 : vector<1x16xf32> to vector<16xf32>
    %swap3A_250 = vector.shape_cast %broadcast_in_dim3A_3 : vector<16xf32> to vector<1x16xf32>
    tpu.vector_store %arg7[%swap3A_246, %swap3A_247], %swap3A_250 {strides = array<i32>} : memref<48x16xf32, #tpu.memory_space<vmem>>, vector<1x16xf32>,
    %swap3A_251 = arith.constant 41 : i32
    %swap3A_252 = arith.index_cast %swap3A_251 : i32 to index
    %swap3A_253 = arith.constant 0 : index
    %swap3A_254 = tpu.vector_load %arg7[%swap3A_252, %swap3A_253] {strides = array<i32>} : memref<48x16xf32, #tpu.memory_space<vmem>>, vector<1x16xf32>,
    %swap3A_255 = vector.shape_cast %swap3A_254 : vector<1x16xf32> to vector<16xf32>
    %swap3A_256 = vector.shape_cast %broadcast_in_dim3A_3 : vector<16xf32> to vector<1x16xf32>
    tpu.vector_store %arg7[%swap3A_252, %swap3A_253], %swap3A_256 {strides = array<i32>} : memref<48x16xf32, #tpu.memory_space<vmem>>, vector<1x16xf32>,
    %swap3A_257 = arith.constant 42 : i32
    %swap3A_258 = arith.index_cast %swap3A_257 : i32 to index
    %swap3A_259 = arith.constant 0 : index
    %swap3A_260 = tpu.vector_load %arg7[%swap3A_258, %swap3A_259] {strides = array<i32>} : memref<48x16xf32, #tpu.memory_space<vmem>>, vector<1x16xf32>,
    %swap3A_261 = vector.shape_cast %swap3A_260 : vector<1x16xf32> to vector<16xf32>
    %swap3A_262 = vector.shape_cast %broadcast_in_dim3A_3 : vector<16xf32> to vector<1x16xf32>
    tpu.vector_store %arg7[%swap3A_258, %swap3A_259], %swap3A_262 {strides = array<i32>} : memref<48x16xf32, #tpu.memory_space<vmem>>, vector<1x16xf32>,
    %swap3A_263 = arith.constant 43 : i32
    %swap3A_264 = arith.index_cast %swap3A_263 : i32 to index
    %swap3A_265 = arith.constant 0 : index
    %swap3A_266 = tpu.vector_load %arg7[%swap3A_264, %swap3A_265] {strides = array<i32>} : memref<48x16xf32, #tpu.memory_space<vmem>>, vector<1x16xf32>,
    %swap3A_267 = vector.shape_cast %swap3A_266 : vector<1x16xf32> to vector<16xf32>
    %swap3A_268 = vector.shape_cast %broadcast_in_dim3A_3 : vector<16xf32> to vector<1x16xf32>
    tpu.vector_store %arg7[%swap3A_264, %swap3A_265], %swap3A_268 {strides = array<i32>} : memref<48x16xf32, #tpu.memory_space<vmem>>, vector<1x16xf32>,
    %swap3A_269 = arith.constant 44 : i32
    %swap3A_270 = arith.index_cast %swap3A_269 : i32 to index
    %swap3A_271 = arith.constant 0 : index
    %swap3A_272 = tpu.vector_load %arg7[%swap3A_270, %swap3A_271] {strides = array<i32>} : memref<48x16xf32, #tpu.memory_space<vmem>>, vector<1x16xf32>,
    %swap3A_273 = vector.shape_cast %swap3A_272 : vector<1x16xf32> to vector<16xf32>
    %swap3A_274 = vector.shape_cast %broadcast_in_dim3A_3 : vector<16xf32> to vector<1x16xf32>
    tpu.vector_store %arg7[%swap3A_270, %swap3A_271], %swap3A_274 {strides = array<i32>} : memref<48x16xf32, #tpu.memory_space<vmem>>, vector<1x16xf32>,
    %swap3A_275 = arith.constant 45 : i32
    %swap3A_276 = arith.index_cast %swap3A_275 : i32 to index
    %swap3A_277 = arith.constant 0 : index
    %swap3A_278 = tpu.vector_load %arg7[%swap3A_276, %swap3A_277] {strides = array<i32>} : memref<48x16xf32, #tpu.memory_space<vmem>>, vector<1x16xf32>,
    %swap3A_279 = vector.shape_cast %swap3A_278 : vector<1x16xf32> to vector<16xf32>
    %swap3A_280 = vector.shape_cast %broadcast_in_dim3A_3 : vector<16xf32> to vector<1x16xf32>
    tpu.vector_store %arg7[%swap3A_276, %swap3A_277], %swap3A_280 {strides = array<i32>} : memref<48x16xf32, #tpu.memory_space<vmem>>, vector<1x16xf32>,
    %swap3A_281 = arith.constant 46 : i32
    %swap3A_282 = arith.index_cast %swap3A_281 : i32 to index
    %swap3A_283 = arith.constant 0 : index
    %swap3A_284 = tpu.vector_load %arg7[%swap3A_282, %swap3A_283] {strides = array<i32>} : memref<48x16xf32, #tpu.memory_space<vmem>>, vector<1x16xf32>,
    %swap3A_285 = vector.shape_cast %swap3A_284 : vector<1x16xf32> to vector<16xf32>
    %swap3A_286 = vector.shape_cast %broadcast_in_dim3A_3 : vector<16xf32> to vector<1x16xf32>
    tpu.vector_store %arg7[%swap3A_282, %swap3A_283], %swap3A_286 {strides = array<i32>} : memref<48x16xf32, #tpu.memory_space<vmem>>, vector<1x16xf32>,
    %swap3A_287 = arith.constant 47 : i32
    %swap3A_288 = arith.index_cast %swap3A_287 : i32 to index
    %swap3A_289 = arith.constant 0 : index
    %swap3A_290 = tpu.vector_load %arg7[%swap3A_288, %swap3A_289] {strides = array<i32>} : memref<48x16xf32, #tpu.memory_space<vmem>>, vector<1x16xf32>,
    %swap3A_291 = vector.shape_cast %swap3A_290 : vector<1x16xf32> to vector<16xf32>
    %swap3A_292 = vector.shape_cast %broadcast_in_dim3A_3 : vector<16xf32> to vector<1x16xf32>
    tpu.vector_store %arg7[%swap3A_288, %swap3A_289], %swap3A_292 {strides = array<i32>} : memref<48x16xf32, #tpu.memory_space<vmem>>, vector<1x16xf32>,
    %lt3A = arith.constant 31 : i32
    %lt3A_293 = arith.cmpi slt, %add3A, %lt3A : i32
    %convert_element_type3A = arith.extui %lt3A_293 : i1 to i32
    %cond3A = arith.constant 0 : i32
    %cond3A_294 = arith.cmpi ne, %convert_element_type3A, %cond3A : i32
    scf.if %cond3A_294 {
      "tpu.region"() ({
        %run_scoped3A = tpu.sem_alloc : memref<!tpu.dma_semaphore, #tpu.memory_space<semaphore_mem>>
        %dma_start3A = tpu.memref_slice %arg2[%mul3A_2] : memref<200000xi32, #tpu.memory_space<hbm>> -> memref<6256xi32, #tpu.memory_space<hbm>>
        %dma_start3A_532 = tpu.memref_slice %arg2[%mul3A_2] : memref<200000xi32, #tpu.memory_space<hbm>> -> memref<6256xi32, #tpu.memory_space<hbm>>
        tpu.enqueue_dma source(%dma_start3A_532 : memref<6256xi32, #tpu.memory_space<hbm>>) target(%arg5 : memref<6256xi32, #tpu.memory_space<vmem>>) target_semaphore(%run_scoped3A : memref<!tpu.dma_semaphore, #tpu.memory_space<semaphore_mem>>)
        %dma_wait3A = tpu.memref_slice %arg2[%mul3A_2] : memref<200000xi32, #tpu.memory_space<hbm>> -> memref<6256xi32, #tpu.memory_space<hbm>>
        %dma_wait3A_533 = tpu.memref_slice %arg2[%mul3A_2] : memref<200000xi32, #tpu.memory_space<hbm>> -> memref<6256xi32, #tpu.memory_space<hbm>>
        tpu.wait_dma2 semaphore(%run_scoped3A : memref<!tpu.dma_semaphore, #tpu.memory_space<semaphore_mem>>) src(%dma_wait3A_533 : memref<6256xi32, #tpu.memory_space<hbm>>) dst(%arg5 : memref<6256xi32, #tpu.memory_space<vmem>>)
        tpu.yield
      }) : () -> ()
      "tpu.region"() ({
        %run_scoped3A = tpu.sem_alloc : memref<!tpu.dma_semaphore, #tpu.memory_space<semaphore_mem>>
        %dma_start3A = tpu.memref_slice %arg3[%mul3A_2] : memref<200000xf32, #tpu.memory_space<hbm>> -> memref<6256xf32, #tpu.memory_space<hbm>>
        %dma_start3A_532 = tpu.memref_slice %arg3[%mul3A_2] : memref<200000xf32, #tpu.memory_space<hbm>> -> memref<6256xf32, #tpu.memory_space<hbm>>
        tpu.enqueue_dma source(%dma_start3A_532 : memref<6256xf32, #tpu.memory_space<hbm>>) target(%arg6 : memref<6256xf32, #tpu.memory_space<vmem>>) target_semaphore(%run_scoped3A : memref<!tpu.dma_semaphore, #tpu.memory_space<semaphore_mem>>)
        %dma_wait3A = tpu.memref_slice %arg3[%mul3A_2] : memref<200000xf32, #tpu.memory_space<hbm>> -> memref<6256xf32, #tpu.memory_space<hbm>>
        %dma_wait3A_533 = tpu.memref_slice %arg3[%mul3A_2] : memref<200000xf32, #tpu.memory_space<hbm>> -> memref<6256xf32, #tpu.memory_space<hbm>>
        tpu.wait_dma2 semaphore(%run_scoped3A : memref<!tpu.dma_semaphore, #tpu.memory_space<semaphore_mem>>) src(%dma_wait3A_533 : memref<6256xf32, #tpu.memory_space<hbm>>) dst(%arg6 : memref<6256xf32, #tpu.memory_space<vmem>>)
        tpu.yield
      }) : () -> ()
    } else {
    }
    %eq3A = arith.constant 31 : i32
    %eq3A_295 = arith.cmpi eq, %add3A, %eq3A : i32
    %convert_element_type3A_296 = arith.extui %eq3A_295 : i1 to i32
    %cond3A_297 = arith.constant 0 : i32
    %cond3A_298 = arith.cmpi ne, %convert_element_type3A_296, %cond3A_297 : i32
    scf.if %cond3A_298 {
      "tpu.region"() ({
        %run_scoped3A = tpu.sem_alloc : memref<!tpu.dma_semaphore, #tpu.memory_space<semaphore_mem>>
        %dma_start3A = arith.constant 0 : i32
        %dma_start3A_628 = tpu.memref_slice %arg5[%dma_start3A] : memref<6256xi32, #tpu.memory_space<vmem>> -> memref<6064xi32, #tpu.memory_space<vmem>>
        %dma_start3A_629 = tpu.memref_slice %arg2[%mul3A_2] : memref<200000xi32, #tpu.memory_space<hbm>> -> memref<6064xi32, #tpu.memory_space<hbm>>
        %dma_start3A_630 = arith.constant 0 : i32
        %dma_start3A_631 = tpu.memref_slice %arg5[%dma_start3A_630] : memref<6256xi32, #tpu.memory_space<vmem>> -> memref<6064xi32, #tpu.memory_space<vmem>>
        %dma_start3A_632 = tpu.memref_slice %arg2[%mul3A_2] : memref<200000xi32, #tpu.memory_space<hbm>> -> memref<6064xi32, #tpu.memory_space<hbm>>
        tpu.enqueue_dma source(%dma_start3A_632 : memref<6064xi32, #tpu.memory_space<hbm>>) target(%dma_start3A_631 : memref<6064xi32, #tpu.memory_space<vmem>>) target_semaphore(%run_scoped3A : memref<!tpu.dma_semaphore, #tpu.memory_space<semaphore_mem>>)
        %dma_wait3A = arith.constant 0 : i32
        %dma_wait3A_633 = tpu.memref_slice %arg5[%dma_wait3A] : memref<6256xi32, #tpu.memory_space<vmem>> -> memref<6064xi32, #tpu.memory_space<vmem>>
        %dma_wait3A_634 = tpu.memref_slice %arg2[%mul3A_2] : memref<200000xi32, #tpu.memory_space<hbm>> -> memref<6064xi32, #tpu.memory_space<hbm>>
        %dma_wait3A_635 = arith.constant 0 : i32
        %dma_wait3A_636 = tpu.memref_slice %arg5[%dma_wait3A_635] : memref<6256xi32, #tpu.memory_space<vmem>> -> memref<6064xi32, #tpu.memory_space<vmem>>
        %dma_wait3A_637 = tpu.memref_slice %arg2[%mul3A_2] : memref<200000xi32, #tpu.memory_space<hbm>> -> memref<6064xi32, #tpu.memory_space<hbm>>
        tpu.wait_dma2 semaphore(%run_scoped3A : memref<!tpu.dma_semaphore, #tpu.memory_space<semaphore_mem>>) src(%dma_wait3A_637 : memref<6064xi32, #tpu.memory_space<hbm>>) dst(%dma_wait3A_636 : memref<6064xi32, #tpu.memory_space<vmem>>)
        tpu.yield
      }) : () -> ()
      "tpu.region"() ({
        %run_scoped3A = tpu.sem_alloc : memref<!tpu.dma_semaphore, #tpu.memory_space<semaphore_mem>>
        %dma_start3A = arith.constant 0 : i32
        %dma_start3A_628 = tpu.memref_slice %arg6[%dma_start3A] : memref<6256xf32, #tpu.memory_space<vmem>> -> memref<6064xf32, #tpu.memory_space<vmem>>
        %dma_start3A_629 = tpu.memref_slice %arg3[%mul3A_2] : memref<200000xf32, #tpu.memory_space<hbm>> -> memref<6064xf32, #tpu.memory_space<hbm>>
        %dma_start3A_630 = arith.constant 0 : i32
        %dma_start3A_631 = tpu.memref_slice %arg6[%dma_start3A_630] : memref<6256xf32, #tpu.memory_space<vmem>> -> memref<6064xf32, #tpu.memory_space<vmem>>
        %dma_start3A_632 = tpu.memref_slice %arg3[%mul3A_2] : memref<200000xf32, #tpu.memory_space<hbm>> -> memref<6064xf32, #tpu.memory_space<hbm>>
        tpu.enqueue_dma source(%dma_start3A_632 : memref<6064xf32, #tpu.memory_space<hbm>>) target(%dma_start3A_631 : memref<6064xf32, #tpu.memory_space<vmem>>) target_semaphore(%run_scoped3A : memref<!tpu.dma_semaphore, #tpu.memory_space<semaphore_mem>>)
        %dma_wait3A = arith.constant 0 : i32
        %dma_wait3A_633 = tpu.memref_slice %arg6[%dma_wait3A] : memref<6256xf32, #tpu.memory_space<vmem>> -> memref<6064xf32, #tpu.memory_space<vmem>>
        %dma_wait3A_634 = tpu.memref_slice %arg3[%mul3A_2] : memref<200000xf32, #tpu.memory_space<hbm>> -> memref<6064xf32, #tpu.memory_space<hbm>>
        %dma_wait3A_635 = arith.constant 0 : i32
        %dma_wait3A_636 = tpu.memref_slice %arg6[%dma_wait3A_635] : memref<6256xf32, #tpu.memory_space<vmem>> -> memref<6064xf32, #tpu.memory_space<vmem>>
        %dma_wait3A_637 = tpu.memref_slice %arg3[%mul3A_2] : memref<200000xf32, #tpu.memory_space<hbm>> -> memref<6064xf32, #tpu.memory_space<hbm>>
        tpu.wait_dma2 semaphore(%run_scoped3A : memref<!tpu.dma_semaphore, #tpu.memory_space<semaphore_mem>>) src(%dma_wait3A_637 : memref<6064xf32, #tpu.memory_space<hbm>>) dst(%dma_wait3A_636 : memref<6064xf32, #tpu.memory_space<vmem>>)
        tpu.yield
      }) : () -> ()
      %swap3A_532 = arith.constant 6064 : index
      %swap3A_533 = tpu.vector_load %arg5[%swap3A_532] {strides = array<i32>} : memref<6256xi32, #tpu.memory_space<vmem>>, vector<16xi32>,
      %swap3A_534 = vector.shape_cast %swap3A_533 : vector<16xi32> to vector<16xi32>
      %swap3A_535 = vector.shape_cast %broadcast_in_dim3A_5 : vector<16xi32> to vector<16xi32>
      tpu.vector_store %arg5[%swap3A_532], %swap3A_535 {strides = array<i32>} : memref<6256xi32, #tpu.memory_space<vmem>>, vector<16xi32>,
      %swap3A_536 = arith.constant 6064 : index
      %swap3A_537 = tpu.vector_load %arg6[%swap3A_536] {strides = array<i32>} : memref<6256xf32, #tpu.memory_space<vmem>>, vector<16xf32>,
      %swap3A_538 = vector.shape_cast %swap3A_537 : vector<16xf32> to vector<16xf32>
      %swap3A_539 = vector.shape_cast %broadcast_in_dim3A_3 : vector<16xf32> to vector<16xf32>
      tpu.vector_store %arg6[%swap3A_536], %swap3A_539 {strides = array<i32>} : memref<6256xf32, #tpu.memory_space<vmem>>, vector<16xf32>,
      %swap3A_540 = arith.constant 6080 : index
      %swap3A_541 = tpu.vector_load %arg5[%swap3A_540] {strides = array<i32>} : memref<6256xi32, #tpu.memory_space<vmem>>, vector<16xi32>,
      %swap3A_542 = vector.shape_cast %swap3A_541 : vector<16xi32> to vector<16xi32>
      %swap3A_543 = vector.shape_cast %broadcast_in_dim3A_5 : vector<16xi32> to vector<16xi32>
      tpu.vector_store %arg5[%swap3A_540], %swap3A_543 {strides = array<i32>} : memref<6256xi32, #tpu.memory_space<vmem>>, vector<16xi32>,
      %swap3A_544 = arith.constant 6080 : index
      %swap3A_545 = tpu.vector_load %arg6[%swap3A_544] {strides = array<i32>} : memref<6256xf32, #tpu.memory_space<vmem>>, vector<16xf32>,
      %swap3A_546 = vector.shape_cast %swap3A_545 : vector<16xf32> to vector<16xf32>
      %swap3A_547 = vector.shape_cast %broadcast_in_dim3A_3 : vector<16xf32> to vector<16xf32>
      tpu.vector_store %arg6[%swap3A_544], %swap3A_547 {strides = array<i32>} : memref<6256xf32, #tpu.memory_space<vmem>>, vector<16xf32>,
      %swap3A_548 = arith.constant 6096 : index
      %swap3A_549 = tpu.vector_load %arg5[%swap3A_548] {strides = array<i32>} : memref<6256xi32, #tpu.memory_space<vmem>>, vector<16xi32>,
      %swap3A_550 = vector.shape_cast %swap3A_549 : vector<16xi32> to vector<16xi32>
      %swap3A_551 = vector.shape_cast %broadcast_in_dim3A_5 : vector<16xi32> to vector<16xi32>
      tpu.vector_store %arg5[%swap3A_548], %swap3A_551 {strides = array<i32>} : memref<6256xi32, #tpu.memory_space<vmem>>, vector<16xi32>,
      %swap3A_552 = arith.constant 6096 : index
      %swap3A_553 = tpu.vector_load %arg6[%swap3A_552] {strides = array<i32>} : memref<6256xf32, #tpu.memory_space<vmem>>, vector<16xf32>,
      %swap3A_554 = vector.shape_cast %swap3A_553 : vector<16xf32> to vector<16xf32>
      %swap3A_555 = vector.shape_cast %broadcast_in_dim3A_3 : vector<16xf32> to vector<16xf32>
      tpu.vector_store %arg6[%swap3A_552], %swap3A_555 {strides = array<i32>} : memref<6256xf32, #tpu.memory_space<vmem>>, vector<16xf32>,
      %swap3A_556 = arith.constant 6112 : index
      %swap3A_557 = tpu.vector_load %arg5[%swap3A_556] {strides = array<i32>} : memref<6256xi32, #tpu.memory_space<vmem>>, vector<16xi32>,
      %swap3A_558 = vector.shape_cast %swap3A_557 : vector<16xi32> to vector<16xi32>
      %swap3A_559 = vector.shape_cast %broadcast_in_dim3A_5 : vector<16xi32> to vector<16xi32>
      tpu.vector_store %arg5[%swap3A_556], %swap3A_559 {strides = array<i32>} : memref<6256xi32, #tpu.memory_space<vmem>>, vector<16xi32>,
      %swap3A_560 = arith.constant 6112 : index
      %swap3A_561 = tpu.vector_load %arg6[%swap3A_560] {strides = array<i32>} : memref<6256xf32, #tpu.memory_space<vmem>>, vector<16xf32>,
      %swap3A_562 = vector.shape_cast %swap3A_561 : vector<16xf32> to vector<16xf32>
      %swap3A_563 = vector.shape_cast %broadcast_in_dim3A_3 : vector<16xf32> to vector<16xf32>
      tpu.vector_store %arg6[%swap3A_560], %swap3A_563 {strides = array<i32>} : memref<6256xf32, #tpu.memory_space<vmem>>, vector<16xf32>,
      %swap3A_564 = arith.constant 6128 : index
      %swap3A_565 = tpu.vector_load %arg5[%swap3A_564] {strides = array<i32>} : memref<6256xi32, #tpu.memory_space<vmem>>, vector<16xi32>,
      %swap3A_566 = vector.shape_cast %swap3A_565 : vector<16xi32> to vector<16xi32>
      %swap3A_567 = vector.shape_cast %broadcast_in_dim3A_5 : vector<16xi32> to vector<16xi32>
      tpu.vector_store %arg5[%swap3A_564], %swap3A_567 {strides = array<i32>} : memref<6256xi32, #tpu.memory_space<vmem>>, vector<16xi32>,
      %swap3A_568 = arith.constant 6128 : index
      %swap3A_569 = tpu.vector_load %arg6[%swap3A_568] {strides = array<i32>} : memref<6256xf32, #tpu.memory_space<vmem>>, vector<16xf32>,
      %swap3A_570 = vector.shape_cast %swap3A_569 : vector<16xf32> to vector<16xf32>
      %swap3A_571 = vector.shape_cast %broadcast_in_dim3A_3 : vector<16xf32> to vector<16xf32>
      tpu.vector_store %arg6[%swap3A_568], %swap3A_571 {strides = array<i32>} : memref<6256xf32, #tpu.memory_space<vmem>>, vector<16xf32>,
      %swap3A_572 = arith.constant 6144 : index
      %swap3A_573 = tpu.vector_load %arg5[%swap3A_572] {strides = array<i32>} : memref<6256xi32, #tpu.memory_space<vmem>>, vector<16xi32>,
      %swap3A_574 = vector.shape_cast %swap3A_573 : vector<16xi32> to vector<16xi32>
      %swap3A_575 = vector.shape_cast %broadcast_in_dim3A_5 : vector<16xi32> to vector<16xi32>
      tpu.vector_store %arg5[%swap3A_572], %swap3A_575 {strides = array<i32>} : memref<6256xi32, #tpu.memory_space<vmem>>, vector<16xi32>,
      %swap3A_576 = arith.constant 6144 : index
      %swap3A_577 = tpu.vector_load %arg6[%swap3A_576] {strides = array<i32>} : memref<6256xf32, #tpu.memory_space<vmem>>, vector<16xf32>,
      %swap3A_578 = vector.shape_cast %swap3A_577 : vector<16xf32> to vector<16xf32>
      %swap3A_579 = vector.shape_cast %broadcast_in_dim3A_3 : vector<16xf32> to vector<16xf32>
      tpu.vector_store %arg6[%swap3A_576], %swap3A_579 {strides = array<i32>} : memref<6256xf32, #tpu.memory_space<vmem>>, vector<16xf32>,
      %swap3A_580 = arith.constant 6160 : index
      %swap3A_581 = tpu.vector_load %arg5[%swap3A_580] {strides = array<i32>} : memref<6256xi32, #tpu.memory_space<vmem>>, vector<16xi32>,
      %swap3A_582 = vector.shape_cast %swap3A_581 : vector<16xi32> to vector<16xi32>
      %swap3A_583 = vector.shape_cast %broadcast_in_dim3A_5 : vector<16xi32> to vector<16xi32>
      tpu.vector_store %arg5[%swap3A_580], %swap3A_583 {strides = array<i32>} : memref<6256xi32, #tpu.memory_space<vmem>>, vector<16xi32>,
      %swap3A_584 = arith.constant 6160 : index
      %swap3A_585 = tpu.vector_load %arg6[%swap3A_584] {strides = array<i32>} : memref<6256xf32, #tpu.memory_space<vmem>>, vector<16xf32>,
      %swap3A_586 = vector.shape_cast %swap3A_585 : vector<16xf32> to vector<16xf32>
      %swap3A_587 = vector.shape_cast %broadcast_in_dim3A_3 : vector<16xf32> to vector<16xf32>
      tpu.vector_store %arg6[%swap3A_584], %swap3A_587 {strides = array<i32>} : memref<6256xf32, #tpu.memory_space<vmem>>, vector<16xf32>,
      %swap3A_588 = arith.constant 6176 : index
      %swap3A_589 = tpu.vector_load %arg5[%swap3A_588] {strides = array<i32>} : memref<6256xi32, #tpu.memory_space<vmem>>, vector<16xi32>,
      %swap3A_590 = vector.shape_cast %swap3A_589 : vector<16xi32> to vector<16xi32>
      %swap3A_591 = vector.shape_cast %broadcast_in_dim3A_5 : vector<16xi32> to vector<16xi32>
      tpu.vector_store %arg5[%swap3A_588], %swap3A_591 {strides = array<i32>} : memref<6256xi32, #tpu.memory_space<vmem>>, vector<16xi32>,
      %swap3A_592 = arith.constant 6176 : index
      %swap3A_593 = tpu.vector_load %arg6[%swap3A_592] {strides = array<i32>} : memref<6256xf32, #tpu.memory_space<vmem>>, vector<16xf32>,
      %swap3A_594 = vector.shape_cast %swap3A_593 : vector<16xf32> to vector<16xf32>
      %swap3A_595 = vector.shape_cast %broadcast_in_dim3A_3 : vector<16xf32> to vector<16xf32>
      tpu.vector_store %arg6[%swap3A_592], %swap3A_595 {strides = array<i32>} : memref<6256xf32, #tpu.memory_space<vmem>>, vector<16xf32>,
      %swap3A_596 = arith.constant 6192 : index
      %swap3A_597 = tpu.vector_load %arg5[%swap3A_596] {strides = array<i32>} : memref<6256xi32, #tpu.memory_space<vmem>>, vector<16xi32>,
      %swap3A_598 = vector.shape_cast %swap3A_597 : vector<16xi32> to vector<16xi32>
      %swap3A_599 = vector.shape_cast %broadcast_in_dim3A_5 : vector<16xi32> to vector<16xi32>
      tpu.vector_store %arg5[%swap3A_596], %swap3A_599 {strides = array<i32>} : memref<6256xi32, #tpu.memory_space<vmem>>, vector<16xi32>,
      %swap3A_600 = arith.constant 6192 : index
      %swap3A_601 = tpu.vector_load %arg6[%swap3A_600] {strides = array<i32>} : memref<6256xf32, #tpu.memory_space<vmem>>, vector<16xf32>,
      %swap3A_602 = vector.shape_cast %swap3A_601 : vector<16xf32> to vector<16xf32>
      %swap3A_603 = vector.shape_cast %broadcast_in_dim3A_3 : vector<16xf32> to vector<16xf32>
      tpu.vector_store %arg6[%swap3A_600], %swap3A_603 {strides = array<i32>} : memref<6256xf32, #tpu.memory_space<vmem>>, vector<16xf32>,
      %swap3A_604 = arith.constant 6208 : index
      %swap3A_605 = tpu.vector_load %arg5[%swap3A_604] {strides = array<i32>} : memref<6256xi32, #tpu.memory_space<vmem>>, vector<16xi32>,
      %swap3A_606 = vector.shape_cast %swap3A_605 : vector<16xi32> to vector<16xi32>
      %swap3A_607 = vector.shape_cast %broadcast_in_dim3A_5 : vector<16xi32> to vector<16xi32>
      tpu.vector_store %arg5[%swap3A_604], %swap3A_607 {strides = array<i32>} : memref<6256xi32, #tpu.memory_space<vmem>>, vector<16xi32>,
      %swap3A_608 = arith.constant 6208 : index
      %swap3A_609 = tpu.vector_load %arg6[%swap3A_608] {strides = array<i32>} : memref<6256xf32, #tpu.memory_space<vmem>>, vector<16xf32>,
      %swap3A_610 = vector.shape_cast %swap3A_609 : vector<16xf32> to vector<16xf32>
      %swap3A_611 = vector.shape_cast %broadcast_in_dim3A_3 : vector<16xf32> to vector<16xf32>
      tpu.vector_store %arg6[%swap3A_608], %swap3A_611 {strides = array<i32>} : memref<6256xf32, #tpu.memory_space<vmem>>, vector<16xf32>,
      %swap3A_612 = arith.constant 6224 : index
      %swap3A_613 = tpu.vector_load %arg5[%swap3A_612] {strides = array<i32>} : memref<6256xi32, #tpu.memory_space<vmem>>, vector<16xi32>,
      %swap3A_614 = vector.shape_cast %swap3A_613 : vector<16xi32> to vector<16xi32>
      %swap3A_615 = vector.shape_cast %broadcast_in_dim3A_5 : vector<16xi32> to vector<16xi32>
      tpu.vector_store %arg5[%swap3A_612], %swap3A_615 {strides = array<i32>} : memref<6256xi32, #tpu.memory_space<vmem>>, vector<16xi32>,
      %swap3A_616 = arith.constant 6224 : index
      %swap3A_617 = tpu.vector_load %arg6[%swap3A_616] {strides = array<i32>} : memref<6256xf32, #tpu.memory_space<vmem>>, vector<16xf32>,
      %swap3A_618 = vector.shape_cast %swap3A_617 : vector<16xf32> to vector<16xf32>
      %swap3A_619 = vector.shape_cast %broadcast_in_dim3A_3 : vector<16xf32> to vector<16xf32>
      tpu.vector_store %arg6[%swap3A_616], %swap3A_619 {strides = array<i32>} : memref<6256xf32, #tpu.memory_space<vmem>>, vector<16xf32>,
      %swap3A_620 = arith.constant 6240 : index
      %swap3A_621 = tpu.vector_load %arg5[%swap3A_620] {strides = array<i32>} : memref<6256xi32, #tpu.memory_space<vmem>>, vector<16xi32>,
      %swap3A_622 = vector.shape_cast %swap3A_621 : vector<16xi32> to vector<16xi32>
      %swap3A_623 = vector.shape_cast %broadcast_in_dim3A_5 : vector<16xi32> to vector<16xi32>
      tpu.vector_store %arg5[%swap3A_620], %swap3A_623 {strides = array<i32>} : memref<6256xi32, #tpu.memory_space<vmem>>, vector<16xi32>,
      %swap3A_624 = arith.constant 6240 : index
      %swap3A_625 = tpu.vector_load %arg6[%swap3A_624] {strides = array<i32>} : memref<6256xf32, #tpu.memory_space<vmem>>, vector<16xf32>,
      %swap3A_626 = vector.shape_cast %swap3A_625 : vector<16xf32> to vector<16xf32>
      %swap3A_627 = vector.shape_cast %broadcast_in_dim3A_3 : vector<16xf32> to vector<16xf32>
      tpu.vector_store %arg6[%swap3A_624], %swap3A_627 {strides = array<i32>} : memref<6256xf32, #tpu.memory_space<vmem>>, vector<16xf32>,
    } else {
    }
    %scan3A = arith.constant 0 : i32
    %scan3A_299 = arith.constant 391 : i32
    %scan3A_300 = arith.addi %scan3A, %scan3A_299 : i32
    %scan3A_301 = arith.constant 1 : i32
    %scan3A_302:38 = scf.for %scan3A_532 = %scan3A to %scan3A_300 step %scan3A_301 iter_args(%scan3A_533 = %broadcast_in_dim3A_3, %scan3A_534 = %broadcast_in_dim3A_3, %scan3A_535 = %broadcast_in_dim3A_3, %scan3A_536 = %broadcast_in_dim3A_3, %scan3A_537 = %broadcast_in_dim3A_3, %scan3A_538 = %broadcast_in_dim3A_3, %scan3A_539 = %broadcast_in_dim3A_3, %scan3A_540 = %broadcast_in_dim3A_3, %scan3A_541 = %broadcast_in_dim3A_3, %scan3A_542 = %broadcast_in_dim3A_3, %scan3A_543 = %broadcast_in_dim3A_3, %scan3A_544 = %broadcast_in_dim3A_3, %scan3A_545 = %broadcast_in_dim3A_3, %scan3A_546 = %broadcast_in_dim3A_3, %scan3A_547 = %broadcast_in_dim3A_3, %scan3A_548 = %broadcast_in_dim3A_3, %scan3A_549 = %broadcast_in_dim3A_3, %scan3A_550 = %broadcast_in_dim3A_3, %scan3A_551 = %broadcast_in_dim3A_3, %scan3A_552 = %broadcast_in_dim3A_3, %scan3A_553 = %broadcast_in_dim3A_3, %scan3A_554 = %broadcast_in_dim3A_3, %scan3A_555 = %broadcast_in_dim3A_3, %scan3A_556 = %broadcast_in_dim3A_3, %scan3A_557 = %broadcast_in_dim3A_3, %scan3A_558 = %broadcast_in_dim3A_3, %scan3A_559 = %broadcast_in_dim3A_3, %scan3A_560 = %broadcast_in_dim3A_3, %scan3A_561 = %broadcast_in_dim3A_3, %scan3A_562 = %broadcast_in_dim3A_3, %scan3A_563 = %broadcast_in_dim3A_3, %scan3A_564 = %broadcast_in_dim3A_3, %scan3A_565 = %broadcast_in_dim3A_3, %scan3A_566 = %broadcast_in_dim3A_3, %scan3A_567 = %broadcast_in_dim3A_3, %scan3A_568 = %broadcast_in_dim3A_3, %scan3A_569 = %broadcast_in_dim3A_3, %scan3A_570 = %broadcast_in_dim3A_3) -> (vector<16xf32>, vector<16xf32>, vector<16xf32>, vector<16xf32>, vector<16xf32>, vector<16xf32>, vector<16xf32>, vector<16xf32>, vector<16xf32>, vector<16xf32>, vector<16xf32>, vector<16xf32>, vector<16xf32>, vector<16xf32>, vector<16xf32>, vector<16xf32>, vector<16xf32>, vector<16xf32>, vector<16xf32>, vector<16xf32>, vector<16xf32>, vector<16xf32>, vector<16xf32>, vector<16xf32>, vector<16xf32>, vector<16xf32>, vector<16xf32>, vector<16xf32>, vector<16xf32>, vector<16xf32>, vector<16xf32>, vector<16xf32>, vector<16xf32>, vector<16xf32>, vector<16xf32>, vector<16xf32>, vector<16xf32>, vector<16xf32>)  : i32 {
      %mul3A_571 = arith.constant 16 : i32
      %mul3A_572 = arith.muli %scan3A_532, %mul3A_571 : i32
      %get3A = arith.index_cast %mul3A_572 : i32 to index
      %get3A_573 = tpu.vector_load %arg5[%get3A] {strides = array<i32>} : memref<6256xi32, #tpu.memory_space<vmem>>, vector<16xi32>,
      %get3A_574 = vector.shape_cast %get3A_573 : vector<16xi32> to vector<16xi32>
      %mul3A_575 = arith.constant 16 : i32
      %mul3A_576 = arith.muli %scan3A_532, %mul3A_575 : i32
      %get3A_577 = arith.index_cast %mul3A_576 : i32 to index
      %get3A_578 = tpu.vector_load %arg6[%get3A_577] {strides = array<i32>} : memref<6256xf32, #tpu.memory_space<vmem>>, vector<16xf32>,
      %get3A_579 = vector.shape_cast %get3A_578 : vector<16xf32> to vector<16xf32>
      %eq3A_580 = arith.constant 0 : i32
      %eq3A_581 = vector.broadcast %eq3A_580 : i32 to vector<16xi32>
      %eq3A_582 = arith.cmpi eq, %get3A_574, %eq3A_581 : vector<16xi32>
      %jit3A = arith.constant 0.000000e+00 : f32
      %broadcast_in_dim3A_583 = vector.broadcast %jit3A : f32 to vector<16xf32>
      %select_n3A = arith.select %eq3A_582, %get3A_579, %broadcast_in_dim3A_583 : vector<16xi1>, vector<16xf32>
      %add3A_584 = arith.addf %scan3A_533, %select_n3A : vector<16xf32>
      %eq3A_585 = arith.constant 1 : i32
      %eq3A_586 = vector.broadcast %eq3A_585 : i32 to vector<16xi32>
      %eq3A_587 = arith.cmpi eq, %get3A_574, %eq3A_586 : vector<16xi32>
      %jit3A_588 = arith.constant 0.000000e+00 : f32
      %broadcast_in_dim3A_589 = vector.broadcast %jit3A_588 : f32 to vector<16xf32>
      %select_n3A_590 = arith.select %eq3A_587, %get3A_579, %broadcast_in_dim3A_589 : vector<16xi1>, vector<16xf32>
      %add3A_591 = arith.addf %scan3A_534, %select_n3A_590 : vector<16xf32>
      %eq3A_592 = arith.constant 2 : i32
      %eq3A_593 = vector.broadcast %eq3A_592 : i32 to vector<16xi32>
      %eq3A_594 = arith.cmpi eq, %get3A_574, %eq3A_593 : vector<16xi32>
      %jit3A_595 = arith.constant 0.000000e+00 : f32
      %broadcast_in_dim3A_596 = vector.broadcast %jit3A_595 : f32 to vector<16xf32>
      %select_n3A_597 = arith.select %eq3A_594, %get3A_579, %broadcast_in_dim3A_596 : vector<16xi1>, vector<16xf32>
      %add3A_598 = arith.addf %scan3A_535, %select_n3A_597 : vector<16xf32>
      %jit3A_599 = arith.constant 1.000000e+00 : f32
      %jit3A_600 = arith.constant 0.000000e+00 : f32
      %broadcast_in_dim3A_601 = vector.broadcast %jit3A_599 : f32 to vector<16xf32>
      %broadcast_in_dim3A_602 = vector.broadcast %jit3A_600 : f32 to vector<16xf32>
      %select_n3A_603 = arith.select %eq3A_594, %broadcast_in_dim3A_601, %broadcast_in_dim3A_602 : vector<16xi1>, vector<16xf32>
      %add3A_604 = arith.addf %scan3A_553, %select_n3A_603 : vector<16xf32>
      %eq3A_605 = arith.constant 3 : i32
      %eq3A_606 = vector.broadcast %eq3A_605 : i32 to vector<16xi32>
      %eq3A_607 = arith.cmpi eq, %get3A_574, %eq3A_606 : vector<16xi32>
      %jit3A_608 = arith.constant 0.000000e+00 : f32
      %broadcast_in_dim3A_609 = vector.broadcast %jit3A_608 : f32 to vector<16xf32>
      %select_n3A_610 = arith.select %eq3A_607, %get3A_579, %broadcast_in_dim3A_609 : vector<16xi1>, vector<16xf32>
      %add3A_611 = arith.addf %scan3A_536, %select_n3A_610 : vector<16xf32>
      %jit3A_612 = arith.constant 1.000000e+00 : f32
      %jit3A_613 = arith.constant 0.000000e+00 : f32
      %broadcast_in_dim3A_614 = vector.broadcast %jit3A_612 : f32 to vector<16xf32>
      %broadcast_in_dim3A_615 = vector.broadcast %jit3A_613 : f32 to vector<16xf32>
      %select_n3A_616 = arith.select %eq3A_607, %broadcast_in_dim3A_614, %broadcast_in_dim3A_615 : vector<16xi1>, vector<16xf32>
      %add3A_617 = arith.addf %scan3A_554, %select_n3A_616 : vector<16xf32>
      %eq3A_618 = arith.constant 4 : i32
      %eq3A_619 = vector.broadcast %eq3A_618 : i32 to vector<16xi32>
      %eq3A_620 = arith.cmpi eq, %get3A_574, %eq3A_619 : vector<16xi32>
      %jit3A_621 = arith.constant 0.000000e+00 : f32
      %broadcast_in_dim3A_622 = vector.broadcast %jit3A_621 : f32 to vector<16xf32>
      %select_n3A_623 = arith.select %eq3A_620, %get3A_579, %broadcast_in_dim3A_622 : vector<16xi1>, vector<16xf32>
      %add3A_624 = arith.addf %scan3A_537, %select_n3A_623 : vector<16xf32>
      %jit3A_625 = arith.constant 1.000000e+00 : f32
      %jit3A_626 = arith.constant 0.000000e+00 : f32
      %broadcast_in_dim3A_627 = vector.broadcast %jit3A_625 : f32 to vector<16xf32>
      %broadcast_in_dim3A_628 = vector.broadcast %jit3A_626 : f32 to vector<16xf32>
      %select_n3A_629 = arith.select %eq3A_620, %broadcast_in_dim3A_627, %broadcast_in_dim3A_628 : vector<16xi1>, vector<16xf32>
      %add3A_630 = arith.addf %scan3A_555, %select_n3A_629 : vector<16xf32>
      %eq3A_631 = arith.constant 5 : i32
      %eq3A_632 = vector.broadcast %eq3A_631 : i32 to vector<16xi32>
      %eq3A_633 = arith.cmpi eq, %get3A_574, %eq3A_632 : vector<16xi32>
      %jit3A_634 = arith.constant 0.000000e+00 : f32
      %broadcast_in_dim3A_635 = vector.broadcast %jit3A_634 : f32 to vector<16xf32>
      %select_n3A_636 = arith.select %eq3A_633, %get3A_579, %broadcast_in_dim3A_635 : vector<16xi1>, vector<16xf32>
      %add3A_637 = arith.addf %scan3A_538, %select_n3A_636 : vector<16xf32>
      %jit3A_638 = arith.constant 1.000000e+00 : f32
      %jit3A_639 = arith.constant 0.000000e+00 : f32
      %broadcast_in_dim3A_640 = vector.broadcast %jit3A_638 : f32 to vector<16xf32>
      %broadcast_in_dim3A_641 = vector.broadcast %jit3A_639 : f32 to vector<16xf32>
      %select_n3A_642 = arith.select %eq3A_633, %broadcast_in_dim3A_640, %broadcast_in_dim3A_641 : vector<16xi1>, vector<16xf32>
      %add3A_643 = arith.addf %scan3A_556, %select_n3A_642 : vector<16xf32>
      %eq3A_644 = arith.constant 6 : i32
      %eq3A_645 = vector.broadcast %eq3A_644 : i32 to vector<16xi32>
      %eq3A_646 = arith.cmpi eq, %get3A_574, %eq3A_645 : vector<16xi32>
      %jit3A_647 = arith.constant 0.000000e+00 : f32
      %broadcast_in_dim3A_648 = vector.broadcast %jit3A_647 : f32 to vector<16xf32>
      %select_n3A_649 = arith.select %eq3A_646, %get3A_579, %broadcast_in_dim3A_648 : vector<16xi1>, vector<16xf32>
      %add3A_650 = arith.addf %scan3A_539, %select_n3A_649 : vector<16xf32>
      %jit3A_651 = arith.constant 1.000000e+00 : f32
      %jit3A_652 = arith.constant 0.000000e+00 : f32
      %broadcast_in_dim3A_653 = vector.broadcast %jit3A_651 : f32 to vector<16xf32>
      %broadcast_in_dim3A_654 = vector.broadcast %jit3A_652 : f32 to vector<16xf32>
      %select_n3A_655 = arith.select %eq3A_646, %broadcast_in_dim3A_653, %broadcast_in_dim3A_654 : vector<16xi1>, vector<16xf32>
      %add3A_656 = arith.addf %scan3A_557, %select_n3A_655 : vector<16xf32>
      %eq3A_657 = arith.constant 7 : i32
      %eq3A_658 = vector.broadcast %eq3A_657 : i32 to vector<16xi32>
      %eq3A_659 = arith.cmpi eq, %get3A_574, %eq3A_658 : vector<16xi32>
      %jit3A_660 = arith.constant 0.000000e+00 : f32
      %broadcast_in_dim3A_661 = vector.broadcast %jit3A_660 : f32 to vector<16xf32>
      %select_n3A_662 = arith.select %eq3A_659, %get3A_579, %broadcast_in_dim3A_661 : vector<16xi1>, vector<16xf32>
      %add3A_663 = arith.addf %scan3A_540, %select_n3A_662 : vector<16xf32>
      %jit3A_664 = arith.constant 1.000000e+00 : f32
      %jit3A_665 = arith.constant 0.000000e+00 : f32
      %broadcast_in_dim3A_666 = vector.broadcast %jit3A_664 : f32 to vector<16xf32>
      %broadcast_in_dim3A_667 = vector.broadcast %jit3A_665 : f32 to vector<16xf32>
      %select_n3A_668 = arith.select %eq3A_659, %broadcast_in_dim3A_666, %broadcast_in_dim3A_667 : vector<16xi1>, vector<16xf32>
      %add3A_669 = arith.addf %scan3A_558, %select_n3A_668 : vector<16xf32>
      %eq3A_670 = arith.constant 8 : i32
      %eq3A_671 = vector.broadcast %eq3A_670 : i32 to vector<16xi32>
      %eq3A_672 = arith.cmpi eq, %get3A_574, %eq3A_671 : vector<16xi32>
      %jit3A_673 = arith.constant 0.000000e+00 : f32
      %broadcast_in_dim3A_674 = vector.broadcast %jit3A_673 : f32 to vector<16xf32>
      %select_n3A_675 = arith.select %eq3A_672, %get3A_579, %broadcast_in_dim3A_674 : vector<16xi1>, vector<16xf32>
      %add3A_676 = arith.addf %scan3A_541, %select_n3A_675 : vector<16xf32>
      %jit3A_677 = arith.constant 1.000000e+00 : f32
      %jit3A_678 = arith.constant 0.000000e+00 : f32
      %broadcast_in_dim3A_679 = vector.broadcast %jit3A_677 : f32 to vector<16xf32>
      %broadcast_in_dim3A_680 = vector.broadcast %jit3A_678 : f32 to vector<16xf32>
      %select_n3A_681 = arith.select %eq3A_672, %broadcast_in_dim3A_679, %broadcast_in_dim3A_680 : vector<16xi1>, vector<16xf32>
      %add3A_682 = arith.addf %scan3A_559, %select_n3A_681 : vector<16xf32>
      %eq3A_683 = arith.constant 9 : i32
      %eq3A_684 = vector.broadcast %eq3A_683 : i32 to vector<16xi32>
      %eq3A_685 = arith.cmpi eq, %get3A_574, %eq3A_684 : vector<16xi32>
      %jit3A_686 = arith.constant 0.000000e+00 : f32
      %broadcast_in_dim3A_687 = vector.broadcast %jit3A_686 : f32 to vector<16xf32>
      %select_n3A_688 = arith.select %eq3A_685, %get3A_579, %broadcast_in_dim3A_687 : vector<16xi1>, vector<16xf32>
      %add3A_689 = arith.addf %scan3A_542, %select_n3A_688 : vector<16xf32>
      %jit3A_690 = arith.constant 1.000000e+00 : f32
      %jit3A_691 = arith.constant 0.000000e+00 : f32
      %broadcast_in_dim3A_692 = vector.broadcast %jit3A_690 : f32 to vector<16xf32>
      %broadcast_in_dim3A_693 = vector.broadcast %jit3A_691 : f32 to vector<16xf32>
      %select_n3A_694 = arith.select %eq3A_685, %broadcast_in_dim3A_692, %broadcast_in_dim3A_693 : vector<16xi1>, vector<16xf32>
      %add3A_695 = arith.addf %scan3A_560, %select_n3A_694 : vector<16xf32>
      %eq3A_696 = arith.constant 10 : i32
      %eq3A_697 = vector.broadcast %eq3A_696 : i32 to vector<16xi32>
      %eq3A_698 = arith.cmpi eq, %get3A_574, %eq3A_697 : vector<16xi32>
      %jit3A_699 = arith.constant 0.000000e+00 : f32
      %broadcast_in_dim3A_700 = vector.broadcast %jit3A_699 : f32 to vector<16xf32>
      %select_n3A_701 = arith.select %eq3A_698, %get3A_579, %broadcast_in_dim3A_700 : vector<16xi1>, vector<16xf32>
      %add3A_702 = arith.addf %scan3A_543, %select_n3A_701 : vector<16xf32>
      %jit3A_703 = arith.constant 1.000000e+00 : f32
      %jit3A_704 = arith.constant 0.000000e+00 : f32
      %broadcast_in_dim3A_705 = vector.broadcast %jit3A_703 : f32 to vector<16xf32>
      %broadcast_in_dim3A_706 = vector.broadcast %jit3A_704 : f32 to vector<16xf32>
      %select_n3A_707 = arith.select %eq3A_698, %broadcast_in_dim3A_705, %broadcast_in_dim3A_706 : vector<16xi1>, vector<16xf32>
      %add3A_708 = arith.addf %scan3A_561, %select_n3A_707 : vector<16xf32>
      %eq3A_709 = arith.constant 11 : i32
      %eq3A_710 = vector.broadcast %eq3A_709 : i32 to vector<16xi32>
      %eq3A_711 = arith.cmpi eq, %get3A_574, %eq3A_710 : vector<16xi32>
      %jit3A_712 = arith.constant 0.000000e+00 : f32
      %broadcast_in_dim3A_713 = vector.broadcast %jit3A_712 : f32 to vector<16xf32>
      %select_n3A_714 = arith.select %eq3A_711, %get3A_579, %broadcast_in_dim3A_713 : vector<16xi1>, vector<16xf32>
      %add3A_715 = arith.addf %scan3A_544, %select_n3A_714 : vector<16xf32>
      %jit3A_716 = arith.constant 1.000000e+00 : f32
      %jit3A_717 = arith.constant 0.000000e+00 : f32
      %broadcast_in_dim3A_718 = vector.broadcast %jit3A_716 : f32 to vector<16xf32>
      %broadcast_in_dim3A_719 = vector.broadcast %jit3A_717 : f32 to vector<16xf32>
      %select_n3A_720 = arith.select %eq3A_711, %broadcast_in_dim3A_718, %broadcast_in_dim3A_719 : vector<16xi1>, vector<16xf32>
      %add3A_721 = arith.addf %scan3A_562, %select_n3A_720 : vector<16xf32>
      %eq3A_722 = arith.constant 12 : i32
      %eq3A_723 = vector.broadcast %eq3A_722 : i32 to vector<16xi32>
      %eq3A_724 = arith.cmpi eq, %get3A_574, %eq3A_723 : vector<16xi32>
      %jit3A_725 = arith.constant 0.000000e+00 : f32
      %broadcast_in_dim3A_726 = vector.broadcast %jit3A_725 : f32 to vector<16xf32>
      %select_n3A_727 = arith.select %eq3A_724, %get3A_579, %broadcast_in_dim3A_726 : vector<16xi1>, vector<16xf32>
      %add3A_728 = arith.addf %scan3A_545, %select_n3A_727 : vector<16xf32>
      %jit3A_729 = arith.constant 1.000000e+00 : f32
      %jit3A_730 = arith.constant 0.000000e+00 : f32
      %broadcast_in_dim3A_731 = vector.broadcast %jit3A_729 : f32 to vector<16xf32>
      %broadcast_in_dim3A_732 = vector.broadcast %jit3A_730 : f32 to vector<16xf32>
      %select_n3A_733 = arith.select %eq3A_724, %broadcast_in_dim3A_731, %broadcast_in_dim3A_732 : vector<16xi1>, vector<16xf32>
      %add3A_734 = arith.addf %scan3A_563, %select_n3A_733 : vector<16xf32>
      %eq3A_735 = arith.constant 13 : i32
      %eq3A_736 = vector.broadcast %eq3A_735 : i32 to vector<16xi32>
      %eq3A_737 = arith.cmpi eq, %get3A_574, %eq3A_736 : vector<16xi32>
      %jit3A_738 = arith.constant 0.000000e+00 : f32
      %broadcast_in_dim3A_739 = vector.broadcast %jit3A_738 : f32 to vector<16xf32>
      %select_n3A_740 = arith.select %eq3A_737, %get3A_579, %broadcast_in_dim3A_739 : vector<16xi1>, vector<16xf32>
      %add3A_741 = arith.addf %scan3A_546, %select_n3A_740 : vector<16xf32>
      %jit3A_742 = arith.constant 1.000000e+00 : f32
      %jit3A_743 = arith.constant 0.000000e+00 : f32
      %broadcast_in_dim3A_744 = vector.broadcast %jit3A_742 : f32 to vector<16xf32>
      %broadcast_in_dim3A_745 = vector.broadcast %jit3A_743 : f32 to vector<16xf32>
      %select_n3A_746 = arith.select %eq3A_737, %broadcast_in_dim3A_744, %broadcast_in_dim3A_745 : vector<16xi1>, vector<16xf32>
      %add3A_747 = arith.addf %scan3A_564, %select_n3A_746 : vector<16xf32>
      %eq3A_748 = arith.constant 14 : i32
      %eq3A_749 = vector.broadcast %eq3A_748 : i32 to vector<16xi32>
      %eq3A_750 = arith.cmpi eq, %get3A_574, %eq3A_749 : vector<16xi32>
      %jit3A_751 = arith.constant 0.000000e+00 : f32
      %broadcast_in_dim3A_752 = vector.broadcast %jit3A_751 : f32 to vector<16xf32>
      %select_n3A_753 = arith.select %eq3A_750, %get3A_579, %broadcast_in_dim3A_752 : vector<16xi1>, vector<16xf32>
      %add3A_754 = arith.addf %scan3A_547, %select_n3A_753 : vector<16xf32>
      %jit3A_755 = arith.constant 1.000000e+00 : f32
      %jit3A_756 = arith.constant 0.000000e+00 : f32
      %broadcast_in_dim3A_757 = vector.broadcast %jit3A_755 : f32 to vector<16xf32>
      %broadcast_in_dim3A_758 = vector.broadcast %jit3A_756 : f32 to vector<16xf32>
      %select_n3A_759 = arith.select %eq3A_750, %broadcast_in_dim3A_757, %broadcast_in_dim3A_758 : vector<16xi1>, vector<16xf32>
      %add3A_760 = arith.addf %scan3A_565, %select_n3A_759 : vector<16xf32>
      %eq3A_761 = arith.constant 15 : i32
      %eq3A_762 = vector.broadcast %eq3A_761 : i32 to vector<16xi32>
      %eq3A_763 = arith.cmpi eq, %get3A_574, %eq3A_762 : vector<16xi32>
      %jit3A_764 = arith.constant 0.000000e+00 : f32
      %broadcast_in_dim3A_765 = vector.broadcast %jit3A_764 : f32 to vector<16xf32>
      %select_n3A_766 = arith.select %eq3A_763, %get3A_579, %broadcast_in_dim3A_765 : vector<16xi1>, vector<16xf32>
      %add3A_767 = arith.addf %scan3A_548, %select_n3A_766 : vector<16xf32>
      %jit3A_768 = arith.constant 1.000000e+00 : f32
      %jit3A_769 = arith.constant 0.000000e+00 : f32
      %broadcast_in_dim3A_770 = vector.broadcast %jit3A_768 : f32 to vector<16xf32>
      %broadcast_in_dim3A_771 = vector.broadcast %jit3A_769 : f32 to vector<16xf32>
      %select_n3A_772 = arith.select %eq3A_763, %broadcast_in_dim3A_770, %broadcast_in_dim3A_771 : vector<16xi1>, vector<16xf32>
      %add3A_773 = arith.addf %scan3A_566, %select_n3A_772 : vector<16xf32>
      %eq3A_774 = arith.constant 16 : i32
      %eq3A_775 = vector.broadcast %eq3A_774 : i32 to vector<16xi32>
      %eq3A_776 = arith.cmpi eq, %get3A_574, %eq3A_775 : vector<16xi32>
      %jit3A_777 = arith.constant 0.000000e+00 : f32
      %broadcast_in_dim3A_778 = vector.broadcast %jit3A_777 : f32 to vector<16xf32>
      %select_n3A_779 = arith.select %eq3A_776, %get3A_579, %broadcast_in_dim3A_778 : vector<16xi1>, vector<16xf32>
      %add3A_780 = arith.addf %scan3A_549, %select_n3A_779 : vector<16xf32>
      %jit3A_781 = arith.constant 1.000000e+00 : f32
      %jit3A_782 = arith.constant 0.000000e+00 : f32
      %broadcast_in_dim3A_783 = vector.broadcast %jit3A_781 : f32 to vector<16xf32>
      %broadcast_in_dim3A_784 = vector.broadcast %jit3A_782 : f32 to vector<16xf32>
      %select_n3A_785 = arith.select %eq3A_776, %broadcast_in_dim3A_783, %broadcast_in_dim3A_784 : vector<16xi1>, vector<16xf32>
      %add3A_786 = arith.addf %scan3A_567, %select_n3A_785 : vector<16xf32>
      %eq3A_787 = arith.constant 17 : i32
      %eq3A_788 = vector.broadcast %eq3A_787 : i32 to vector<16xi32>
      %eq3A_789 = arith.cmpi eq, %get3A_574, %eq3A_788 : vector<16xi32>
      %jit3A_790 = arith.constant 0.000000e+00 : f32
      %broadcast_in_dim3A_791 = vector.broadcast %jit3A_790 : f32 to vector<16xf32>
      %select_n3A_792 = arith.select %eq3A_789, %get3A_579, %broadcast_in_dim3A_791 : vector<16xi1>, vector<16xf32>
      %add3A_793 = arith.addf %scan3A_550, %select_n3A_792 : vector<16xf32>
      %jit3A_794 = arith.constant 1.000000e+00 : f32
      %jit3A_795 = arith.constant 0.000000e+00 : f32
      %broadcast_in_dim3A_796 = vector.broadcast %jit3A_794 : f32 to vector<16xf32>
      %broadcast_in_dim3A_797 = vector.broadcast %jit3A_795 : f32 to vector<16xf32>
      %select_n3A_798 = arith.select %eq3A_789, %broadcast_in_dim3A_796, %broadcast_in_dim3A_797 : vector<16xi1>, vector<16xf32>
      %add3A_799 = arith.addf %scan3A_568, %select_n3A_798 : vector<16xf32>
      %eq3A_800 = arith.constant 18 : i32
      %eq3A_801 = vector.broadcast %eq3A_800 : i32 to vector<16xi32>
      %eq3A_802 = arith.cmpi eq, %get3A_574, %eq3A_801 : vector<16xi32>
      %jit3A_803 = arith.constant 0.000000e+00 : f32
      %broadcast_in_dim3A_804 = vector.broadcast %jit3A_803 : f32 to vector<16xf32>
      %select_n3A_805 = arith.select %eq3A_802, %get3A_579, %broadcast_in_dim3A_804 : vector<16xi1>, vector<16xf32>
      %add3A_806 = arith.addf %scan3A_551, %select_n3A_805 : vector<16xf32>
      %jit3A_807 = arith.constant 1.000000e+00 : f32
      %jit3A_808 = arith.constant 0.000000e+00 : f32
      %broadcast_in_dim3A_809 = vector.broadcast %jit3A_807 : f32 to vector<16xf32>
      %broadcast_in_dim3A_810 = vector.broadcast %jit3A_808 : f32 to vector<16xf32>
      %select_n3A_811 = arith.select %eq3A_802, %broadcast_in_dim3A_809, %broadcast_in_dim3A_810 : vector<16xi1>, vector<16xf32>
      %add3A_812 = arith.addf %scan3A_569, %select_n3A_811 : vector<16xf32>
      %eq3A_813 = arith.constant 19 : i32
      %eq3A_814 = vector.broadcast %eq3A_813 : i32 to vector<16xi32>
      %eq3A_815 = arith.cmpi eq, %get3A_574, %eq3A_814 : vector<16xi32>
      %jit3A_816 = arith.constant 0.000000e+00 : f32
      %broadcast_in_dim3A_817 = vector.broadcast %jit3A_816 : f32 to vector<16xf32>
      %select_n3A_818 = arith.select %eq3A_815, %get3A_579, %broadcast_in_dim3A_817 : vector<16xi1>, vector<16xf32>
      %add3A_819 = arith.addf %scan3A_552, %select_n3A_818 : vector<16xf32>
      %jit3A_820 = arith.constant 1.000000e+00 : f32
      %jit3A_821 = arith.constant 0.000000e+00 : f32
      %broadcast_in_dim3A_822 = vector.broadcast %jit3A_820 : f32 to vector<16xf32>
      %broadcast_in_dim3A_823 = vector.broadcast %jit3A_821 : f32 to vector<16xf32>
      %select_n3A_824 = arith.select %eq3A_815, %broadcast_in_dim3A_822, %broadcast_in_dim3A_823 : vector<16xi1>, vector<16xf32>
      %add3A_825 = arith.addf %scan3A_570, %select_n3A_824 : vector<16xf32>
      scf.yield %add3A_584, %add3A_591, %add3A_598, %add3A_611, %add3A_624, %add3A_637, %add3A_650, %add3A_663, %add3A_676, %add3A_689, %add3A_702, %add3A_715, %add3A_728, %add3A_741, %add3A_754, %add3A_767, %add3A_780, %add3A_793, %add3A_806, %add3A_819, %add3A_604, %add3A_617, %add3A_630, %add3A_643, %add3A_656, %add3A_669, %add3A_682, %add3A_695, %add3A_708, %add3A_721, %add3A_734, %add3A_747, %add3A_760, %add3A_773, %add3A_786, %add3A_799, %add3A_812, %add3A_825 : vector<16xf32>, vector<16xf32>, vector<16xf32>, vector<16xf32>, vector<16xf32>, vector<16xf32>, vector<16xf32>, vector<16xf32>, vector<16xf32>, vector<16xf32>, vector<16xf32>, vector<16xf32>, vector<16xf32>, vector<16xf32>, vector<16xf32>, vector<16xf32>, vector<16xf32>, vector<16xf32>, vector<16xf32>, vector<16xf32>, vector<16xf32>, vector<16xf32>, vector<16xf32>, vector<16xf32>, vector<16xf32>, vector<16xf32>, vector<16xf32>, vector<16xf32>, vector<16xf32>, vector<16xf32>, vector<16xf32>, vector<16xf32>, vector<16xf32>, vector<16xf32>, vector<16xf32>, vector<16xf32>, vector<16xf32>, vector<16xf32>
    }
    %scan3A_303 = arith.constant 391 : i32
    %swap3A_304 = arith.constant 0 : i32
    %swap3A_305 = arith.index_cast %swap3A_304 : i32 to index
    %swap3A_306 = arith.constant 0 : index
    %swap3A_307 = tpu.vector_load %arg7[%swap3A_305, %swap3A_306] {strides = array<i32>} : memref<48x16xf32, #tpu.memory_space<vmem>>, vector<1x16xf32>,
    %swap3A_308 = vector.shape_cast %swap3A_307 : vector<1x16xf32> to vector<16xf32>
    %swap3A_309 = vector.shape_cast %scan3A_302#0 : vector<16xf32> to vector<1x16xf32>
    tpu.vector_store %arg7[%swap3A_305, %swap3A_306], %swap3A_309 {strides = array<i32>} : memref<48x16xf32, #tpu.memory_space<vmem>>, vector<1x16xf32>,
    %swap3A_310 = arith.constant 1 : i32
    %swap3A_311 = arith.index_cast %swap3A_310 : i32 to index
    %swap3A_312 = arith.constant 0 : index
    %swap3A_313 = tpu.vector_load %arg7[%swap3A_311, %swap3A_312] {strides = array<i32>} : memref<48x16xf32, #tpu.memory_space<vmem>>, vector<1x16xf32>,
    %swap3A_314 = vector.shape_cast %swap3A_313 : vector<1x16xf32> to vector<16xf32>
    %swap3A_315 = vector.shape_cast %scan3A_302#1 : vector<16xf32> to vector<1x16xf32>
    tpu.vector_store %arg7[%swap3A_311, %swap3A_312], %swap3A_315 {strides = array<i32>} : memref<48x16xf32, #tpu.memory_space<vmem>>, vector<1x16xf32>,
    %swap3A_316 = arith.constant 2 : i32
    %swap3A_317 = arith.index_cast %swap3A_316 : i32 to index
    %swap3A_318 = arith.constant 0 : index
    %swap3A_319 = tpu.vector_load %arg7[%swap3A_317, %swap3A_318] {strides = array<i32>} : memref<48x16xf32, #tpu.memory_space<vmem>>, vector<1x16xf32>,
    %swap3A_320 = vector.shape_cast %swap3A_319 : vector<1x16xf32> to vector<16xf32>
    %swap3A_321 = vector.shape_cast %scan3A_302#2 : vector<16xf32> to vector<1x16xf32>
    tpu.vector_store %arg7[%swap3A_317, %swap3A_318], %swap3A_321 {strides = array<i32>} : memref<48x16xf32, #tpu.memory_space<vmem>>, vector<1x16xf32>,
    %swap3A_322 = arith.constant 3 : i32
    %swap3A_323 = arith.index_cast %swap3A_322 : i32 to index
    %swap3A_324 = arith.constant 0 : index
    %swap3A_325 = tpu.vector_load %arg7[%swap3A_323, %swap3A_324] {strides = array<i32>} : memref<48x16xf32, #tpu.memory_space<vmem>>, vector<1x16xf32>,
    %swap3A_326 = vector.shape_cast %swap3A_325 : vector<1x16xf32> to vector<16xf32>
    %swap3A_327 = vector.shape_cast %scan3A_302#3 : vector<16xf32> to vector<1x16xf32>
    tpu.vector_store %arg7[%swap3A_323, %swap3A_324], %swap3A_327 {strides = array<i32>} : memref<48x16xf32, #tpu.memory_space<vmem>>, vector<1x16xf32>,
    %swap3A_328 = arith.constant 4 : i32
    %swap3A_329 = arith.index_cast %swap3A_328 : i32 to index
    %swap3A_330 = arith.constant 0 : index
    %swap3A_331 = tpu.vector_load %arg7[%swap3A_329, %swap3A_330] {strides = array<i32>} : memref<48x16xf32, #tpu.memory_space<vmem>>, vector<1x16xf32>,
    %swap3A_332 = vector.shape_cast %swap3A_331 : vector<1x16xf32> to vector<16xf32>
    %swap3A_333 = vector.shape_cast %scan3A_302#4 : vector<16xf32> to vector<1x16xf32>
    tpu.vector_store %arg7[%swap3A_329, %swap3A_330], %swap3A_333 {strides = array<i32>} : memref<48x16xf32, #tpu.memory_space<vmem>>, vector<1x16xf32>,
    %swap3A_334 = arith.constant 5 : i32
    %swap3A_335 = arith.index_cast %swap3A_334 : i32 to index
    %swap3A_336 = arith.constant 0 : index
    %swap3A_337 = tpu.vector_load %arg7[%swap3A_335, %swap3A_336] {strides = array<i32>} : memref<48x16xf32, #tpu.memory_space<vmem>>, vector<1x16xf32>,
    %swap3A_338 = vector.shape_cast %swap3A_337 : vector<1x16xf32> to vector<16xf32>
    %swap3A_339 = vector.shape_cast %scan3A_302#5 : vector<16xf32> to vector<1x16xf32>
    tpu.vector_store %arg7[%swap3A_335, %swap3A_336], %swap3A_339 {strides = array<i32>} : memref<48x16xf32, #tpu.memory_space<vmem>>, vector<1x16xf32>,
    %swap3A_340 = arith.constant 6 : i32
    %swap3A_341 = arith.index_cast %swap3A_340 : i32 to index
    %swap3A_342 = arith.constant 0 : index
    %swap3A_343 = tpu.vector_load %arg7[%swap3A_341, %swap3A_342] {strides = array<i32>} : memref<48x16xf32, #tpu.memory_space<vmem>>, vector<1x16xf32>,
    %swap3A_344 = vector.shape_cast %swap3A_343 : vector<1x16xf32> to vector<16xf32>
    %swap3A_345 = vector.shape_cast %scan3A_302#6 : vector<16xf32> to vector<1x16xf32>
    tpu.vector_store %arg7[%swap3A_341, %swap3A_342], %swap3A_345 {strides = array<i32>} : memref<48x16xf32, #tpu.memory_space<vmem>>, vector<1x16xf32>,
    %swap3A_346 = arith.constant 7 : i32
    %swap3A_347 = arith.index_cast %swap3A_346 : i32 to index
    %swap3A_348 = arith.constant 0 : index
    %swap3A_349 = tpu.vector_load %arg7[%swap3A_347, %swap3A_348] {strides = array<i32>} : memref<48x16xf32, #tpu.memory_space<vmem>>, vector<1x16xf32>,
    %swap3A_350 = vector.shape_cast %swap3A_349 : vector<1x16xf32> to vector<16xf32>
    %swap3A_351 = vector.shape_cast %scan3A_302#7 : vector<16xf32> to vector<1x16xf32>
    tpu.vector_store %arg7[%swap3A_347, %swap3A_348], %swap3A_351 {strides = array<i32>} : memref<48x16xf32, #tpu.memory_space<vmem>>, vector<1x16xf32>,
    %swap3A_352 = arith.constant 8 : i32
    %swap3A_353 = arith.index_cast %swap3A_352 : i32 to index
    %swap3A_354 = arith.constant 0 : index
    %swap3A_355 = tpu.vector_load %arg7[%swap3A_353, %swap3A_354] {strides = array<i32>} : memref<48x16xf32, #tpu.memory_space<vmem>>, vector<1x16xf32>,
    %swap3A_356 = vector.shape_cast %swap3A_355 : vector<1x16xf32> to vector<16xf32>
    %swap3A_357 = vector.shape_cast %scan3A_302#8 : vector<16xf32> to vector<1x16xf32>
    tpu.vector_store %arg7[%swap3A_353, %swap3A_354], %swap3A_357 {strides = array<i32>} : memref<48x16xf32, #tpu.memory_space<vmem>>, vector<1x16xf32>,
    %swap3A_358 = arith.constant 9 : i32
    %swap3A_359 = arith.index_cast %swap3A_358 : i32 to index
    %swap3A_360 = arith.constant 0 : index
    %swap3A_361 = tpu.vector_load %arg7[%swap3A_359, %swap3A_360] {strides = array<i32>} : memref<48x16xf32, #tpu.memory_space<vmem>>, vector<1x16xf32>,
    %swap3A_362 = vector.shape_cast %swap3A_361 : vector<1x16xf32> to vector<16xf32>
    %swap3A_363 = vector.shape_cast %scan3A_302#9 : vector<16xf32> to vector<1x16xf32>
    tpu.vector_store %arg7[%swap3A_359, %swap3A_360], %swap3A_363 {strides = array<i32>} : memref<48x16xf32, #tpu.memory_space<vmem>>, vector<1x16xf32>,
    %swap3A_364 = arith.constant 10 : i32
    %swap3A_365 = arith.index_cast %swap3A_364 : i32 to index
    %swap3A_366 = arith.constant 0 : index
    %swap3A_367 = tpu.vector_load %arg7[%swap3A_365, %swap3A_366] {strides = array<i32>} : memref<48x16xf32, #tpu.memory_space<vmem>>, vector<1x16xf32>,
    %swap3A_368 = vector.shape_cast %swap3A_367 : vector<1x16xf32> to vector<16xf32>
    %swap3A_369 = vector.shape_cast %scan3A_302#10 : vector<16xf32> to vector<1x16xf32>
    tpu.vector_store %arg7[%swap3A_365, %swap3A_366], %swap3A_369 {strides = array<i32>} : memref<48x16xf32, #tpu.memory_space<vmem>>, vector<1x16xf32>,
    %swap3A_370 = arith.constant 11 : i32
    %swap3A_371 = arith.index_cast %swap3A_370 : i32 to index
    %swap3A_372 = arith.constant 0 : index
    %swap3A_373 = tpu.vector_load %arg7[%swap3A_371, %swap3A_372] {strides = array<i32>} : memref<48x16xf32, #tpu.memory_space<vmem>>, vector<1x16xf32>,
    %swap3A_374 = vector.shape_cast %swap3A_373 : vector<1x16xf32> to vector<16xf32>
    %swap3A_375 = vector.shape_cast %scan3A_302#11 : vector<16xf32> to vector<1x16xf32>
    tpu.vector_store %arg7[%swap3A_371, %swap3A_372], %swap3A_375 {strides = array<i32>} : memref<48x16xf32, #tpu.memory_space<vmem>>, vector<1x16xf32>,
    %swap3A_376 = arith.constant 12 : i32
    %swap3A_377 = arith.index_cast %swap3A_376 : i32 to index
    %swap3A_378 = arith.constant 0 : index
    %swap3A_379 = tpu.vector_load %arg7[%swap3A_377, %swap3A_378] {strides = array<i32>} : memref<48x16xf32, #tpu.memory_space<vmem>>, vector<1x16xf32>,
    %swap3A_380 = vector.shape_cast %swap3A_379 : vector<1x16xf32> to vector<16xf32>
    %swap3A_381 = vector.shape_cast %scan3A_302#12 : vector<16xf32> to vector<1x16xf32>
    tpu.vector_store %arg7[%swap3A_377, %swap3A_378], %swap3A_381 {strides = array<i32>} : memref<48x16xf32, #tpu.memory_space<vmem>>, vector<1x16xf32>,
    %swap3A_382 = arith.constant 13 : i32
    %swap3A_383 = arith.index_cast %swap3A_382 : i32 to index
    %swap3A_384 = arith.constant 0 : index
    %swap3A_385 = tpu.vector_load %arg7[%swap3A_383, %swap3A_384] {strides = array<i32>} : memref<48x16xf32, #tpu.memory_space<vmem>>, vector<1x16xf32>,
    %swap3A_386 = vector.shape_cast %swap3A_385 : vector<1x16xf32> to vector<16xf32>
    %swap3A_387 = vector.shape_cast %scan3A_302#13 : vector<16xf32> to vector<1x16xf32>
    tpu.vector_store %arg7[%swap3A_383, %swap3A_384], %swap3A_387 {strides = array<i32>} : memref<48x16xf32, #tpu.memory_space<vmem>>, vector<1x16xf32>,
    %swap3A_388 = arith.constant 14 : i32
    %swap3A_389 = arith.index_cast %swap3A_388 : i32 to index
    %swap3A_390 = arith.constant 0 : index
    %swap3A_391 = tpu.vector_load %arg7[%swap3A_389, %swap3A_390] {strides = array<i32>} : memref<48x16xf32, #tpu.memory_space<vmem>>, vector<1x16xf32>,
    %swap3A_392 = vector.shape_cast %swap3A_391 : vector<1x16xf32> to vector<16xf32>
    %swap3A_393 = vector.shape_cast %scan3A_302#14 : vector<16xf32> to vector<1x16xf32>
    tpu.vector_store %arg7[%swap3A_389, %swap3A_390], %swap3A_393 {strides = array<i32>} : memref<48x16xf32, #tpu.memory_space<vmem>>, vector<1x16xf32>,
    %swap3A_394 = arith.constant 15 : i32
    %swap3A_395 = arith.index_cast %swap3A_394 : i32 to index
    %swap3A_396 = arith.constant 0 : index
    %swap3A_397 = tpu.vector_load %arg7[%swap3A_395, %swap3A_396] {strides = array<i32>} : memref<48x16xf32, #tpu.memory_space<vmem>>, vector<1x16xf32>,
    %swap3A_398 = vector.shape_cast %swap3A_397 : vector<1x16xf32> to vector<16xf32>
    %swap3A_399 = vector.shape_cast %scan3A_302#15 : vector<16xf32> to vector<1x16xf32>
    tpu.vector_store %arg7[%swap3A_395, %swap3A_396], %swap3A_399 {strides = array<i32>} : memref<48x16xf32, #tpu.memory_space<vmem>>, vector<1x16xf32>,
    %swap3A_400 = arith.constant 16 : i32
    %swap3A_401 = arith.index_cast %swap3A_400 : i32 to index
    %swap3A_402 = arith.constant 0 : index
    %swap3A_403 = tpu.vector_load %arg7[%swap3A_401, %swap3A_402] {strides = array<i32>} : memref<48x16xf32, #tpu.memory_space<vmem>>, vector<1x16xf32>,
    %swap3A_404 = vector.shape_cast %swap3A_403 : vector<1x16xf32> to vector<16xf32>
    %swap3A_405 = vector.shape_cast %scan3A_302#16 : vector<16xf32> to vector<1x16xf32>
    tpu.vector_store %arg7[%swap3A_401, %swap3A_402], %swap3A_405 {strides = array<i32>} : memref<48x16xf32, #tpu.memory_space<vmem>>, vector<1x16xf32>,
    %swap3A_406 = arith.constant 17 : i32
    %swap3A_407 = arith.index_cast %swap3A_406 : i32 to index
    %swap3A_408 = arith.constant 0 : index
    %swap3A_409 = tpu.vector_load %arg7[%swap3A_407, %swap3A_408] {strides = array<i32>} : memref<48x16xf32, #tpu.memory_space<vmem>>, vector<1x16xf32>,
    %swap3A_410 = vector.shape_cast %swap3A_409 : vector<1x16xf32> to vector<16xf32>
    %swap3A_411 = vector.shape_cast %scan3A_302#17 : vector<16xf32> to vector<1x16xf32>
    tpu.vector_store %arg7[%swap3A_407, %swap3A_408], %swap3A_411 {strides = array<i32>} : memref<48x16xf32, #tpu.memory_space<vmem>>, vector<1x16xf32>,
    %swap3A_412 = arith.constant 18 : i32
    %swap3A_413 = arith.index_cast %swap3A_412 : i32 to index
    %swap3A_414 = arith.constant 0 : index
    %swap3A_415 = tpu.vector_load %arg7[%swap3A_413, %swap3A_414] {strides = array<i32>} : memref<48x16xf32, #tpu.memory_space<vmem>>, vector<1x16xf32>,
    %swap3A_416 = vector.shape_cast %swap3A_415 : vector<1x16xf32> to vector<16xf32>
    %swap3A_417 = vector.shape_cast %scan3A_302#18 : vector<16xf32> to vector<1x16xf32>
    tpu.vector_store %arg7[%swap3A_413, %swap3A_414], %swap3A_417 {strides = array<i32>} : memref<48x16xf32, #tpu.memory_space<vmem>>, vector<1x16xf32>,
    %swap3A_418 = arith.constant 19 : i32
    %swap3A_419 = arith.index_cast %swap3A_418 : i32 to index
    %swap3A_420 = arith.constant 0 : index
    %swap3A_421 = tpu.vector_load %arg7[%swap3A_419, %swap3A_420] {strides = array<i32>} : memref<48x16xf32, #tpu.memory_space<vmem>>, vector<1x16xf32>,
    %swap3A_422 = vector.shape_cast %swap3A_421 : vector<1x16xf32> to vector<16xf32>
    %swap3A_423 = vector.shape_cast %scan3A_302#19 : vector<16xf32> to vector<1x16xf32>
    tpu.vector_store %arg7[%swap3A_419, %swap3A_420], %swap3A_423 {strides = array<i32>} : memref<48x16xf32, #tpu.memory_space<vmem>>, vector<1x16xf32>,
    %swap3A_424 = arith.constant 26 : i32
    %swap3A_425 = arith.index_cast %swap3A_424 : i32 to index
    %swap3A_426 = arith.constant 0 : index
    %swap3A_427 = tpu.vector_load %arg7[%swap3A_425, %swap3A_426] {strides = array<i32>} : memref<48x16xf32, #tpu.memory_space<vmem>>, vector<1x16xf32>,
    %swap3A_428 = vector.shape_cast %swap3A_427 : vector<1x16xf32> to vector<16xf32>
    %swap3A_429 = vector.shape_cast %scan3A_302#20 : vector<16xf32> to vector<1x16xf32>
    tpu.vector_store %arg7[%swap3A_425, %swap3A_426], %swap3A_429 {strides = array<i32>} : memref<48x16xf32, #tpu.memory_space<vmem>>, vector<1x16xf32>,
    %swap3A_430 = arith.constant 27 : i32
    %swap3A_431 = arith.index_cast %swap3A_430 : i32 to index
    %swap3A_432 = arith.constant 0 : index
    %swap3A_433 = tpu.vector_load %arg7[%swap3A_431, %swap3A_432] {strides = array<i32>} : memref<48x16xf32, #tpu.memory_space<vmem>>, vector<1x16xf32>,
    %swap3A_434 = vector.shape_cast %swap3A_433 : vector<1x16xf32> to vector<16xf32>
    %swap3A_435 = vector.shape_cast %scan3A_302#21 : vector<16xf32> to vector<1x16xf32>
    tpu.vector_store %arg7[%swap3A_431, %swap3A_432], %swap3A_435 {strides = array<i32>} : memref<48x16xf32, #tpu.memory_space<vmem>>, vector<1x16xf32>,
    %swap3A_436 = arith.constant 28 : i32
    %swap3A_437 = arith.index_cast %swap3A_436 : i32 to index
    %swap3A_438 = arith.constant 0 : index
    %swap3A_439 = tpu.vector_load %arg7[%swap3A_437, %swap3A_438] {strides = array<i32>} : memref<48x16xf32, #tpu.memory_space<vmem>>, vector<1x16xf32>,
    %swap3A_440 = vector.shape_cast %swap3A_439 : vector<1x16xf32> to vector<16xf32>
    %swap3A_441 = vector.shape_cast %scan3A_302#22 : vector<16xf32> to vector<1x16xf32>
    tpu.vector_store %arg7[%swap3A_437, %swap3A_438], %swap3A_441 {strides = array<i32>} : memref<48x16xf32, #tpu.memory_space<vmem>>, vector<1x16xf32>,
    %swap3A_442 = arith.constant 29 : i32
    %swap3A_443 = arith.index_cast %swap3A_442 : i32 to index
    %swap3A_444 = arith.constant 0 : index
    %swap3A_445 = tpu.vector_load %arg7[%swap3A_443, %swap3A_444] {strides = array<i32>} : memref<48x16xf32, #tpu.memory_space<vmem>>, vector<1x16xf32>,
    %swap3A_446 = vector.shape_cast %swap3A_445 : vector<1x16xf32> to vector<16xf32>
    %swap3A_447 = vector.shape_cast %scan3A_302#23 : vector<16xf32> to vector<1x16xf32>
    tpu.vector_store %arg7[%swap3A_443, %swap3A_444], %swap3A_447 {strides = array<i32>} : memref<48x16xf32, #tpu.memory_space<vmem>>, vector<1x16xf32>,
    %swap3A_448 = arith.constant 30 : i32
    %swap3A_449 = arith.index_cast %swap3A_448 : i32 to index
    %swap3A_450 = arith.constant 0 : index
    %swap3A_451 = tpu.vector_load %arg7[%swap3A_449, %swap3A_450] {strides = array<i32>} : memref<48x16xf32, #tpu.memory_space<vmem>>, vector<1x16xf32>,
    %swap3A_452 = vector.shape_cast %swap3A_451 : vector<1x16xf32> to vector<16xf32>
    %swap3A_453 = vector.shape_cast %scan3A_302#24 : vector<16xf32> to vector<1x16xf32>
    tpu.vector_store %arg7[%swap3A_449, %swap3A_450], %swap3A_453 {strides = array<i32>} : memref<48x16xf32, #tpu.memory_space<vmem>>, vector<1x16xf32>,
    %swap3A_454 = arith.constant 31 : i32
    %swap3A_455 = arith.index_cast %swap3A_454 : i32 to index
    %swap3A_456 = arith.constant 0 : index
    %swap3A_457 = tpu.vector_load %arg7[%swap3A_455, %swap3A_456] {strides = array<i32>} : memref<48x16xf32, #tpu.memory_space<vmem>>, vector<1x16xf32>,
    %swap3A_458 = vector.shape_cast %swap3A_457 : vector<1x16xf32> to vector<16xf32>
    %swap3A_459 = vector.shape_cast %scan3A_302#25 : vector<16xf32> to vector<1x16xf32>
    tpu.vector_store %arg7[%swap3A_455, %swap3A_456], %swap3A_459 {strides = array<i32>} : memref<48x16xf32, #tpu.memory_space<vmem>>, vector<1x16xf32>,
    %swap3A_460 = arith.constant 32 : i32
    %swap3A_461 = arith.index_cast %swap3A_460 : i32 to index
    %swap3A_462 = arith.constant 0 : index
    %swap3A_463 = tpu.vector_load %arg7[%swap3A_461, %swap3A_462] {strides = array<i32>} : memref<48x16xf32, #tpu.memory_space<vmem>>, vector<1x16xf32>,
    %swap3A_464 = vector.shape_cast %swap3A_463 : vector<1x16xf32> to vector<16xf32>
    %swap3A_465 = vector.shape_cast %scan3A_302#26 : vector<16xf32> to vector<1x16xf32>
    tpu.vector_store %arg7[%swap3A_461, %swap3A_462], %swap3A_465 {strides = array<i32>} : memref<48x16xf32, #tpu.memory_space<vmem>>, vector<1x16xf32>,
    %swap3A_466 = arith.constant 33 : i32
    %swap3A_467 = arith.index_cast %swap3A_466 : i32 to index
    %swap3A_468 = arith.constant 0 : index
    %swap3A_469 = tpu.vector_load %arg7[%swap3A_467, %swap3A_468] {strides = array<i32>} : memref<48x16xf32, #tpu.memory_space<vmem>>, vector<1x16xf32>,
    %swap3A_470 = vector.shape_cast %swap3A_469 : vector<1x16xf32> to vector<16xf32>
    %swap3A_471 = vector.shape_cast %scan3A_302#27 : vector<16xf32> to vector<1x16xf32>
    tpu.vector_store %arg7[%swap3A_467, %swap3A_468], %swap3A_471 {strides = array<i32>} : memref<48x16xf32, #tpu.memory_space<vmem>>, vector<1x16xf32>,
    %swap3A_472 = arith.constant 34 : i32
    %swap3A_473 = arith.index_cast %swap3A_472 : i32 to index
    %swap3A_474 = arith.constant 0 : index
    %swap3A_475 = tpu.vector_load %arg7[%swap3A_473, %swap3A_474] {strides = array<i32>} : memref<48x16xf32, #tpu.memory_space<vmem>>, vector<1x16xf32>,
    %swap3A_476 = vector.shape_cast %swap3A_475 : vector<1x16xf32> to vector<16xf32>
    %swap3A_477 = vector.shape_cast %scan3A_302#28 : vector<16xf32> to vector<1x16xf32>
    tpu.vector_store %arg7[%swap3A_473, %swap3A_474], %swap3A_477 {strides = array<i32>} : memref<48x16xf32, #tpu.memory_space<vmem>>, vector<1x16xf32>,
    %swap3A_478 = arith.constant 35 : i32
    %swap3A_479 = arith.index_cast %swap3A_478 : i32 to index
    %swap3A_480 = arith.constant 0 : index
    %swap3A_481 = tpu.vector_load %arg7[%swap3A_479, %swap3A_480] {strides = array<i32>} : memref<48x16xf32, #tpu.memory_space<vmem>>, vector<1x16xf32>,
    %swap3A_482 = vector.shape_cast %swap3A_481 : vector<1x16xf32> to vector<16xf32>
    %swap3A_483 = vector.shape_cast %scan3A_302#29 : vector<16xf32> to vector<1x16xf32>
    tpu.vector_store %arg7[%swap3A_479, %swap3A_480], %swap3A_483 {strides = array<i32>} : memref<48x16xf32, #tpu.memory_space<vmem>>, vector<1x16xf32>,
    %swap3A_484 = arith.constant 36 : i32
    %swap3A_485 = arith.index_cast %swap3A_484 : i32 to index
    %swap3A_486 = arith.constant 0 : index
    %swap3A_487 = tpu.vector_load %arg7[%swap3A_485, %swap3A_486] {strides = array<i32>} : memref<48x16xf32, #tpu.memory_space<vmem>>, vector<1x16xf32>,
    %swap3A_488 = vector.shape_cast %swap3A_487 : vector<1x16xf32> to vector<16xf32>
    %swap3A_489 = vector.shape_cast %scan3A_302#30 : vector<16xf32> to vector<1x16xf32>
    tpu.vector_store %arg7[%swap3A_485, %swap3A_486], %swap3A_489 {strides = array<i32>} : memref<48x16xf32, #tpu.memory_space<vmem>>, vector<1x16xf32>,
    %swap3A_490 = arith.constant 37 : i32
    %swap3A_491 = arith.index_cast %swap3A_490 : i32 to index
    %swap3A_492 = arith.constant 0 : index
    %swap3A_493 = tpu.vector_load %arg7[%swap3A_491, %swap3A_492] {strides = array<i32>} : memref<48x16xf32, #tpu.memory_space<vmem>>, vector<1x16xf32>,
    %swap3A_494 = vector.shape_cast %swap3A_493 : vector<1x16xf32> to vector<16xf32>
    %swap3A_495 = vector.shape_cast %scan3A_302#31 : vector<16xf32> to vector<1x16xf32>
    tpu.vector_store %arg7[%swap3A_491, %swap3A_492], %swap3A_495 {strides = array<i32>} : memref<48x16xf32, #tpu.memory_space<vmem>>, vector<1x16xf32>,
    %swap3A_496 = arith.constant 38 : i32
    %swap3A_497 = arith.index_cast %swap3A_496 : i32 to index
    %swap3A_498 = arith.constant 0 : index
    %swap3A_499 = tpu.vector_load %arg7[%swap3A_497, %swap3A_498] {strides = array<i32>} : memref<48x16xf32, #tpu.memory_space<vmem>>, vector<1x16xf32>,
    %swap3A_500 = vector.shape_cast %swap3A_499 : vector<1x16xf32> to vector<16xf32>
    %swap3A_501 = vector.shape_cast %scan3A_302#32 : vector<16xf32> to vector<1x16xf32>
    tpu.vector_store %arg7[%swap3A_497, %swap3A_498], %swap3A_501 {strides = array<i32>} : memref<48x16xf32, #tpu.memory_space<vmem>>, vector<1x16xf32>,
    %swap3A_502 = arith.constant 39 : i32
    %swap3A_503 = arith.index_cast %swap3A_502 : i32 to index
    %swap3A_504 = arith.constant 0 : index
    %swap3A_505 = tpu.vector_load %arg7[%swap3A_503, %swap3A_504] {strides = array<i32>} : memref<48x16xf32, #tpu.memory_space<vmem>>, vector<1x16xf32>,
    %swap3A_506 = vector.shape_cast %swap3A_505 : vector<1x16xf32> to vector<16xf32>
    %swap3A_507 = vector.shape_cast %scan3A_302#33 : vector<16xf32> to vector<1x16xf32>
    tpu.vector_store %arg7[%swap3A_503, %swap3A_504], %swap3A_507 {strides = array<i32>} : memref<48x16xf32, #tpu.memory_space<vmem>>, vector<1x16xf32>,
    %swap3A_508 = arith.constant 40 : i32
    %swap3A_509 = arith.index_cast %swap3A_508 : i32 to index
    %swap3A_510 = arith.constant 0 : index
    %swap3A_511 = tpu.vector_load %arg7[%swap3A_509, %swap3A_510] {strides = array<i32>} : memref<48x16xf32, #tpu.memory_space<vmem>>, vector<1x16xf32>,
    %swap3A_512 = vector.shape_cast %swap3A_511 : vector<1x16xf32> to vector<16xf32>
    %swap3A_513 = vector.shape_cast %scan3A_302#34 : vector<16xf32> to vector<1x16xf32>
    tpu.vector_store %arg7[%swap3A_509, %swap3A_510], %swap3A_513 {strides = array<i32>} : memref<48x16xf32, #tpu.memory_space<vmem>>, vector<1x16xf32>,
    %swap3A_514 = arith.constant 41 : i32
    %swap3A_515 = arith.index_cast %swap3A_514 : i32 to index
    %swap3A_516 = arith.constant 0 : index
    %swap3A_517 = tpu.vector_load %arg7[%swap3A_515, %swap3A_516] {strides = array<i32>} : memref<48x16xf32, #tpu.memory_space<vmem>>, vector<1x16xf32>,
    %swap3A_518 = vector.shape_cast %swap3A_517 : vector<1x16xf32> to vector<16xf32>
    %swap3A_519 = vector.shape_cast %scan3A_302#35 : vector<16xf32> to vector<1x16xf32>
    tpu.vector_store %arg7[%swap3A_515, %swap3A_516], %swap3A_519 {strides = array<i32>} : memref<48x16xf32, #tpu.memory_space<vmem>>, vector<1x16xf32>,
    %swap3A_520 = arith.constant 42 : i32
    %swap3A_521 = arith.index_cast %swap3A_520 : i32 to index
    %swap3A_522 = arith.constant 0 : index
    %swap3A_523 = tpu.vector_load %arg7[%swap3A_521, %swap3A_522] {strides = array<i32>} : memref<48x16xf32, #tpu.memory_space<vmem>>, vector<1x16xf32>,
    %swap3A_524 = vector.shape_cast %swap3A_523 : vector<1x16xf32> to vector<16xf32>
    %swap3A_525 = vector.shape_cast %scan3A_302#36 : vector<16xf32> to vector<1x16xf32>
    tpu.vector_store %arg7[%swap3A_521, %swap3A_522], %swap3A_525 {strides = array<i32>} : memref<48x16xf32, #tpu.memory_space<vmem>>, vector<1x16xf32>,
    %swap3A_526 = arith.constant 43 : i32
    %swap3A_527 = arith.index_cast %swap3A_526 : i32 to index
    %swap3A_528 = arith.constant 0 : index
    %swap3A_529 = tpu.vector_load %arg7[%swap3A_527, %swap3A_528] {strides = array<i32>} : memref<48x16xf32, #tpu.memory_space<vmem>>, vector<1x16xf32>,
    %swap3A_530 = vector.shape_cast %swap3A_529 : vector<1x16xf32> to vector<16xf32>
    %swap3A_531 = vector.shape_cast %scan3A_302#37 : vector<16xf32> to vector<1x16xf32>
    tpu.vector_store %arg7[%swap3A_527, %swap3A_528], %swap3A_531 {strides = array<i32>} : memref<48x16xf32, #tpu.memory_space<vmem>>, vector<1x16xf32>,
    "tpu.region"() ({
      %run_scoped3A = tpu.sem_alloc : memref<!tpu.dma_semaphore, #tpu.memory_space<semaphore_mem>>
      %dma_start3A = arith.constant 0 : i32
      %dma_start3A_532 = arith.constant 0 : i32
      %dma_start3A_533 = tpu.memref_slice %arg4[%add3A, %dma_start3A, %dma_start3A_532] : memref<32x48x16xf32, #tpu.memory_space<hbm>> -> memref<1x48x16xf32, #tpu.memory_space<hbm>>
      %dma_start3A_534 = tpu.memref_squeeze %dma_start3A_533 : memref<1x48x16xf32, #tpu.memory_space<hbm>> -> memref<48x16xf32, #tpu.memory_space<hbm>>
      %dma_start3A_535 = arith.constant 0 : i32
      %dma_start3A_536 = arith.constant 0 : i32
      %dma_start3A_537 = tpu.memref_slice %arg4[%add3A, %dma_start3A_535, %dma_start3A_536] : memref<32x48x16xf32, #tpu.memory_space<hbm>> -> memref<1x48x16xf32, #tpu.memory_space<hbm>>
      %dma_start3A_538 = tpu.memref_squeeze %dma_start3A_537 : memref<1x48x16xf32, #tpu.memory_space<hbm>> -> memref<48x16xf32, #tpu.memory_space<hbm>>
      tpu.enqueue_dma source(%arg7 : memref<48x16xf32, #tpu.memory_space<vmem>>) target(%dma_start3A_538 : memref<48x16xf32, #tpu.memory_space<hbm>>) target_semaphore(%run_scoped3A : memref<!tpu.dma_semaphore, #tpu.memory_space<semaphore_mem>>)
      %dma_wait3A = arith.constant 0 : i32
      %dma_wait3A_539 = arith.constant 0 : i32
      %dma_wait3A_540 = tpu.memref_slice %arg4[%add3A, %dma_wait3A, %dma_wait3A_539] : memref<32x48x16xf32, #tpu.memory_space<hbm>> -> memref<1x48x16xf32, #tpu.memory_space<hbm>>
      %dma_wait3A_541 = tpu.memref_squeeze %dma_wait3A_540 : memref<1x48x16xf32, #tpu.memory_space<hbm>> -> memref<48x16xf32, #tpu.memory_space<hbm>>
      %dma_wait3A_542 = arith.constant 0 : i32
      %dma_wait3A_543 = arith.constant 0 : i32
      %dma_wait3A_544 = tpu.memref_slice %arg4[%add3A, %dma_wait3A_542, %dma_wait3A_543] : memref<32x48x16xf32, #tpu.memory_space<hbm>> -> memref<1x48x16xf32, #tpu.memory_space<hbm>>
      %dma_wait3A_545 = tpu.memref_squeeze %dma_wait3A_544 : memref<1x48x16xf32, #tpu.memory_space<hbm>> -> memref<48x16xf32, #tpu.memory_space<hbm>>
      tpu.wait_dma2 semaphore(%run_scoped3A : memref<!tpu.dma_semaphore, #tpu.memory_space<semaphore_mem>>) src(%arg7 : memref<48x16xf32, #tpu.memory_space<vmem>>) dst(%dma_wait3A_545 : memref<48x16xf32, #tpu.memory_space<hbm>>)
      tpu.yield
    }) : () -> ()
    return
  }
}

module attributes {stable_mosaic.version = 14 : i64} {
  func.func @_fused_kernel(%arg0: i32, %arg1: memref<64x20480xf32, #tpu.memory_space<vmem>>, %arg2: memref<3x20480xf32, #tpu.memory_space<vmem>>, %arg3: memref<64x64xf32, #tpu.memory_space<vmem>>, %arg4: memref<64x1xf32, #tpu.memory_space<vmem>>, %arg5: memref<3x64xf32, #tpu.memory_space<vmem>>, %arg6: memref<3x1xf32, #tpu.memory_space<vmem>>, %arg7: memref<20x64xf32, #tpu.memory_space<vmem>>, %arg8: memref<20x1xf32, #tpu.memory_space<vmem>>, %arg9: memref<20x1xf32, #tpu.memory_space<vmem>>, %arg10: memref<20x20480xf32, #tpu.memory_space<vmem>>, %arg11: memref<3x20480xf32, #tpu.memory_space<vmem>>, %arg12: memref<20480xi32, #tpu.memory_space<vmem>>, %arg13: memref<20480xf32, #tpu.memory_space<vmem>>) attributes {dimension_semantics = [#tpu.dimension_semantics<arbitrary>], iteration_bounds = array<i64: 10>, scalar_prefetch = 0 : i64, scratch_operands = 0 : i64, tpu.core_type = #tpu.core_type<tc>, window_params = [{transform_indices = @transform_0, window_bounds = array<i64: 64, 20480>}, {transform_indices = @transform_1, window_bounds = array<i64: 3, 20480>}, {pipeline_mode = #tpu.pipeline_mode<synchronous>, transform_indices = @transform_2, window_bounds = array<i64: 64, 64>}, {pipeline_mode = #tpu.pipeline_mode<synchronous>, transform_indices = @transform_3, window_bounds = array<i64: 64, 1>}, {pipeline_mode = #tpu.pipeline_mode<synchronous>, transform_indices = @transform_4, window_bounds = array<i64: 3, 64>}, {pipeline_mode = #tpu.pipeline_mode<synchronous>, transform_indices = @transform_5, window_bounds = array<i64: 3, 1>}, {pipeline_mode = #tpu.pipeline_mode<synchronous>, transform_indices = @transform_6, window_bounds = array<i64: 20, 64>}, {pipeline_mode = #tpu.pipeline_mode<synchronous>, transform_indices = @transform_7, window_bounds = array<i64: 20, 1>}, {pipeline_mode = #tpu.pipeline_mode<synchronous>, transform_indices = @transform_8, window_bounds = array<i64: 20, 1>}, {transform_indices = @transform_9, window_bounds = array<i64: 20, 20480>}, {transform_indices = @transform_10, window_bounds = array<i64: 3, 20480>}, {transform_indices = @transform_11, window_bounds = array<i64: 20480>}, {transform_indices = @transform_12, window_bounds = array<i64: 20480>}]} {
    %get3A = arith.constant 0 : index
    %get3A_0 = arith.constant 0 : index
    %get3A_1 = vector.load %arg1[%get3A, %get3A_0] : memref<64x20480xf32, #tpu.memory_space<vmem>>, vector<64x20480xf32>
    %get3A_2 = arith.constant 0 : index
    %get3A_3 = arith.constant 0 : index
    %get3A_4 = vector.load %arg7[%get3A_2, %get3A_3] : memref<20x64xf32, #tpu.memory_space<vmem>>, vector<20x64xf32>
    %dot_general3A = arith.constant dense<0.000000e+00> : vector<20x20480xf32>
    %dot_general3A_5 = tpu.matmul %get3A_4, %get3A_1, %dot_general3A {dimension_numbers = #tpu.dot_dimension_numbers<[1], [0], [0], [1], [0, 0, 1, 1], [], []>, transpose_lhs_hint = false} : vector<20x64xf32>, vector<64x20480xf32>, vector<20x20480xf32> -> vector<20x20480xf32>
    %get3A_6 = arith.constant 0 : index
    %get3A_7 = arith.constant 0 : index
    %get3A_8 = vector.load %arg8[%get3A_6, %get3A_7] : memref<20x1xf32, #tpu.memory_space<vmem>>, vector<20x1xf32>
    %add3A = vector.broadcast %get3A_8 : vector<20x1xf32> to vector<20x20480xf32>
    %add3A_9 = arith.addf %dot_general3A_5, %add3A : vector<20x20480xf32>
    %swap3A = arith.constant 0 : index
    %swap3A_10 = arith.constant 0 : index
    %swap3A_11 = vector.load %arg10[%swap3A, %swap3A_10] : memref<20x20480xf32, #tpu.memory_space<vmem>>, vector<20x20480xf32>
    tpu.vector_store %arg10[%swap3A, %swap3A_10], %add3A_9 {strides = array<i32>} : memref<20x20480xf32, #tpu.memory_space<vmem>>, vector<20x20480xf32>,
    %get3A_12 = arith.constant 0 : index
    %get3A_13 = arith.constant 0 : index
    %get3A_14 = vector.load %arg3[%get3A_12, %get3A_13] : memref<64x64xf32, #tpu.memory_space<vmem>>, vector<64x64xf32>
    %dot_general3A_15 = arith.constant dense<0.000000e+00> : vector<64x20480xf32>
    %dot_general3A_16 = tpu.matmul %get3A_14, %get3A_1, %dot_general3A_15 {dimension_numbers = #tpu.dot_dimension_numbers<[1], [0], [0], [1], [0, 0, 1, 1], [], []>, transpose_lhs_hint = false} : vector<64x64xf32>, vector<64x20480xf32>, vector<64x20480xf32> -> vector<64x20480xf32>
    %get3A_17 = arith.constant 0 : index
    %get3A_18 = arith.constant 0 : index
    %get3A_19 = vector.load %arg4[%get3A_17, %get3A_18] : memref<64x1xf32, #tpu.memory_space<vmem>>, vector<64x1xf32>
    %add3A_20 = vector.broadcast %get3A_19 : vector<64x1xf32> to vector<64x20480xf32>
    %add3A_21 = arith.addf %dot_general3A_16, %add3A_20 : vector<64x20480xf32>
    %max3A = arith.constant 0.000000e+00 : f32
    %max3A_22 = vector.broadcast %max3A : f32 to vector<64x20480xf32>
    %max3A_23 = arith.maximumf %add3A_21, %max3A_22 : vector<64x20480xf32>
    %get3A_24 = arith.constant 0 : index
    %get3A_25 = arith.constant 0 : index
    %get3A_26 = vector.load %arg5[%get3A_24, %get3A_25] : memref<3x64xf32, #tpu.memory_space<vmem>>, vector<3x64xf32>
    %dot_general3A_27 = arith.constant dense<0.000000e+00> : vector<3x20480xf32>
    %dot_general3A_28 = tpu.matmul %get3A_26, %max3A_23, %dot_general3A_27 {dimension_numbers = #tpu.dot_dimension_numbers<[1], [0], [0], [1], [0, 0, 1, 1], [], []>, transpose_lhs_hint = false} : vector<3x64xf32>, vector<64x20480xf32>, vector<3x20480xf32> -> vector<3x20480xf32>
    %get3A_29 = arith.constant 0 : index
    %get3A_30 = arith.constant 0 : index
    %get3A_31 = vector.load %arg2[%get3A_29, %get3A_30] : memref<3x20480xf32, #tpu.memory_space<vmem>>, vector<3x20480xf32>
    %mul3A = arith.constant 5.000000e+01 : f32
    %mul3A_32 = vector.broadcast %mul3A : f32 to vector<3x20480xf32>
    %mul3A_33 = arith.mulf %get3A_31, %mul3A_32 : vector<3x20480xf32>
    %get3A_34 = arith.constant 0 : index
    %get3A_35 = arith.constant 0 : index
    %get3A_36 = vector.load %arg6[%get3A_34, %get3A_35] : memref<3x1xf32, #tpu.memory_space<vmem>>, vector<3x1xf32>
    %add3A_37 = vector.broadcast %get3A_36 : vector<3x1xf32> to vector<3x20480xf32>
    %add3A_38 = arith.addf %dot_general3A_28, %add3A_37 : vector<3x20480xf32>
    %add3A_39 = arith.addf %mul3A_33, %add3A_38 : vector<3x20480xf32>
    %swap3A_40 = arith.constant 0 : index
    %swap3A_41 = arith.constant 0 : index
    %swap3A_42 = vector.load %arg11[%swap3A_40, %swap3A_41] : memref<3x20480xf32, #tpu.memory_space<vmem>>, vector<3x20480xf32>
    tpu.vector_store %arg11[%swap3A_40, %swap3A_41], %add3A_39 {strides = array<i32>} : memref<3x20480xf32, #tpu.memory_space<vmem>>, vector<3x20480xf32>,
    %reduce_max3A = arith.constant dense<0xFF800000> : vector<20480xf32>
    %reduce_max3A_43 = vector.multi_reduction <maximumf>, %add3A_9, %reduce_max3A [0] : vector<20x20480xf32> to vector<20480xf32>
    %broadcast_in_dim3A = vector.shape_cast %reduce_max3A_43 : vector<20480xf32> to vector<1x20480xf32>
    %eq3A = vector.broadcast %broadcast_in_dim3A : vector<1x20480xf32> to vector<20x20480xf32>
    %eq3A_44 = arith.cmpf oeq, %add3A_9, %eq3A : vector<20x20480xf32>
    %convert_element_type3A = arith.extui %eq3A_44 : vector<20x20480xi1> to vector<20x20480xi32>
    %convert_element_type3A_45 = arith.sitofp %convert_element_type3A : vector<20x20480xi32> to vector<20x20480xf32>
    %sub3A = vector.broadcast %broadcast_in_dim3A : vector<1x20480xf32> to vector<20x20480xf32>
    %sub3A_46 = arith.subf %add3A_9, %sub3A : vector<20x20480xf32>
    %exp3A = math.exp %sub3A_46 : vector<20x20480xf32>
    %get3A_47 = arith.constant 0 : index
    %get3A_48 = arith.constant 0 : index
    %get3A_49 = vector.load %arg9[%get3A_47, %get3A_48] : memref<20x1xf32, #tpu.memory_space<vmem>>, vector<20x1xf32>
    %mul3A_50 = vector.broadcast %get3A_49 : vector<20x1xf32> to vector<20x20480xf32>
    %mul3A_51 = arith.mulf %convert_element_type3A_45, %mul3A_50 : vector<20x20480xf32>
    %reduce_sum3A = arith.constant dense<0.000000e+00> : vector<20480xf32>
    %reduce_sum3A_52 = vector.multi_reduction <add>, %mul3A_51, %reduce_sum3A [0] : vector<20x20480xf32> to vector<20480xf32>
    %broadcast_in_dim3A_53 = vector.shape_cast %reduce_sum3A_52 : vector<20480xf32> to vector<1x20480xf32>
    %bitcast_convert_type3A = tpu.bitcast %broadcast_in_dim3A_53 : vector<1x20480xf32> -> vector<1x20480xi32>
    %shift_right_arithmetic3A = arith.constant 23 : i32
    %shift_right_arithmetic3A_54 = vector.broadcast %shift_right_arithmetic3A : i32 to vector<1x20480xi32>
    %shift_right_arithmetic3A_55 = arith.shrsi %bitcast_convert_type3A, %shift_right_arithmetic3A_54 : vector<1x20480xi32>
    %sub3A_56 = arith.constant 127 : i32
    %sub3A_57 = vector.broadcast %sub3A_56 : i32 to vector<1x20480xi32>
    %sub3A_58 = arith.subi %shift_right_arithmetic3A_55, %sub3A_57 : vector<1x20480xi32>
    %sub3A_59 = arith.constant 19 : i32
    %sub3A_60 = vector.broadcast %sub3A_59 : i32 to vector<1x20480xi32>
    %sub3A_61 = arith.subi %sub3A_60, %sub3A_58 : vector<1x20480xi32>
    %reshape3A = vector.shape_cast %sub3A_61 : vector<1x20480xi32> to vector<20480xi32>
    %swap3A_62 = arith.constant 0 : index
    %swap3A_63 = vector.load %arg12[%swap3A_62] : memref<20480xi32, #tpu.memory_space<vmem>>, vector<20480xi32>
    tpu.vector_store %arg12[%swap3A_62], %reshape3A {strides = array<i32>} : memref<20480xi32, #tpu.memory_space<vmem>>, vector<20480xi32>,
    %reduce_sum3A_64 = arith.constant dense<0.000000e+00> : vector<20480xf32>
    %reduce_sum3A_65 = vector.multi_reduction <add>, %exp3A, %reduce_sum3A_64 [0] : vector<20x20480xf32> to vector<20480xf32>
    %broadcast_in_dim3A_66 = vector.shape_cast %reduce_sum3A_65 : vector<20480xf32> to vector<1x20480xf32>
    %div3A = arith.constant 1.000000e+00 : f32
    %div3A_67 = vector.broadcast %div3A : f32 to vector<1x20480xf32>
    %div3A_68 = arith.divf %div3A_67, %broadcast_in_dim3A_66 : vector<1x20480xf32>
    %iota3A = tpu.iota {dimensions = array<i32: 1>} : vector<1x20480xi32>
    %mul3A_69 = arith.constant 20480 : i32
    %mul3A_70 = arith.muli %arg0, %mul3A_69 : i32
    %add3A_71 = vector.broadcast %mul3A_70 : i32 to vector<1x20480xi32>
    %add3A_72 = arith.addi %iota3A, %add3A_71 : vector<1x20480xi32>
    %ge3A = arith.constant 2 : i32
    %ge3A_73 = vector.broadcast %ge3A : i32 to vector<1x20480xi32>
    %ge3A_74 = arith.cmpi sge, %sub3A_61, %ge3A_73 : vector<1x20480xi32>
    %lt3A = arith.constant 200000 : i32
    %lt3A_75 = vector.broadcast %lt3A : i32 to vector<1x20480xi32>
    %lt3A_76 = arith.cmpi slt, %add3A_72, %lt3A_75 : vector<1x20480xi32>
    %and3A = arith.andi %ge3A_74, %lt3A_76 : vector<1x20480xi1>
    %jit3A = arith.constant 0.000000e+00 : f32
    %broadcast_in_dim3A_77 = vector.broadcast %jit3A : f32 to vector<1x20480xf32>
    %select_n3A = arith.select %and3A, %div3A_68, %broadcast_in_dim3A_77 : vector<1x20480xi1>, vector<1x20480xf32>
    %reshape3A_78 = vector.shape_cast %select_n3A : vector<1x20480xf32> to vector<20480xf32>
    %swap3A_79 = arith.constant 0 : index
    %swap3A_80 = vector.load %arg13[%swap3A_79] : memref<20480xf32, #tpu.memory_space<vmem>>, vector<20480xf32>
    tpu.vector_store %arg13[%swap3A_79], %reshape3A_78 {strides = array<i32>} : memref<20480xf32, #tpu.memory_space<vmem>>, vector<20480xf32>,
    return
  }
  func.func @transform_0(%arg0: i32) -> (i32, i32) {
    %c0_i32 = arith.constant 0 : i32
    %c0_i32_0 = arith.constant 0 : i32
    return %c0_i32, %arg0 : i32, i32
  }
  func.func @transform_1(%arg0: i32) -> (i32, i32) {
    %c0_i32 = arith.constant 0 : i32
    %c0_i32_0 = arith.constant 0 : i32
    return %c0_i32, %arg0 : i32, i32
  }
  func.func @transform_2(%arg0: i32) -> (i32, i32) {
    %c0_i32 = arith.constant 0 : i32
    %c0_i32_0 = arith.constant 0 : i32
    %c0_i32_1 = arith.constant 0 : i32
    return %c0_i32, %c0_i32_0 : i32, i32
  }
  func.func @transform_3(%arg0: i32) -> (i32, i32) {
    %c0_i32 = arith.constant 0 : i32
    %c0_i32_0 = arith.constant 0 : i32
    %c0_i32_1 = arith.constant 0 : i32
    return %c0_i32, %c0_i32_0 : i32, i32
  }
  func.func @transform_4(%arg0: i32) -> (i32, i32) {
    %c0_i32 = arith.constant 0 : i32
    %c0_i32_0 = arith.constant 0 : i32
    %c0_i32_1 = arith.constant 0 : i32
    return %c0_i32, %c0_i32_0 : i32, i32
  }
  func.func @transform_5(%arg0: i32) -> (i32, i32) {
    %c0_i32 = arith.constant 0 : i32
    %c0_i32_0 = arith.constant 0 : i32
    %c0_i32_1 = arith.constant 0 : i32
    return %c0_i32, %c0_i32_0 : i32, i32
  }
  func.func @transform_6(%arg0: i32) -> (i32, i32) {
    %c0_i32 = arith.constant 0 : i32
    %c0_i32_0 = arith.constant 0 : i32
    %c0_i32_1 = arith.constant 0 : i32
    return %c0_i32, %c0_i32_0 : i32, i32
  }
  func.func @transform_7(%arg0: i32) -> (i32, i32) {
    %c0_i32 = arith.constant 0 : i32
    %c0_i32_0 = arith.constant 0 : i32
    %c0_i32_1 = arith.constant 0 : i32
    return %c0_i32, %c0_i32_0 : i32, i32
  }
  func.func @transform_8(%arg0: i32) -> (i32, i32) {
    %c0_i32 = arith.constant 0 : i32
    %c0_i32_0 = arith.constant 0 : i32
    %c0_i32_1 = arith.constant 0 : i32
    return %c0_i32, %c0_i32_0 : i32, i32
  }
  func.func @transform_9(%arg0: i32) -> (i32, i32) {
    %c0_i32 = arith.constant 0 : i32
    %c0_i32_0 = arith.constant 0 : i32
    return %c0_i32, %arg0 : i32, i32
  }
  func.func @transform_10(%arg0: i32) -> (i32, i32) {
    %c0_i32 = arith.constant 0 : i32
    %c0_i32_0 = arith.constant 0 : i32
    return %c0_i32, %arg0 : i32, i32
  }
  func.func @transform_11(%arg0: i32) -> i32 {
    %c0_i32 = arith.constant 0 : i32
    return %arg0 : i32
  }
  func.func @transform_12(%arg0: i32) -> i32 {
    %c0_i32 = arith.constant 0 : i32
    return %arg0 : i32
  }
}

</mosaic_0001>

<sc_bundles>
// kernel: kernel.4.cloned.1.call-start
scs
__scs_entry_jumppad:
0x0: {  	(pc) =	sbr.rel $0x88, $3  }
0x1: {  	(tag) =	ssettag $0x0;
	lr =	simm.s32 $0x1  }
0x2: {  	[smem:$0x3F95] =	sst lr;
	_ =	strace $0xD0000000  }
0x3: {  	_ = 	snop  }
0x4: {  	_ = 	snop  }
0x5: {  	_ = 	snop  }
0x6: {  	_ = 	snop  }
0x7: {  	_ = 	snop  }
__scs_overlays_trampoline_lowered:
0x8: {  	[smem:$0x3FA4] =	sst s0  }
0x9: {  	[smem:$0x3FA5] =	sst s1  }
0xa: {  	[smem:$0x3FA6] =	sst s2  }
0xb: {  	[smem:$0x3FA7] =	sst s3  }
0xc: {  	[smem:$0x3FA8] =	sst s4  }
0xd: {  	[smem:$0x3FA9] =	sst s5  }
0xe: {  	[smem:$0x3FAA] =	sst s6  }
0xf: {  	[smem:$0x3FAB] =	sst s7  }
0x10: {  	[smem:$0x3FAC] =	sst s8  }
0x11: {  	[smem:$0x3FAD] =	sst s9;
	s0 =	simm.s32 @!p0 $0x0  }
0x12: {  	s1 =	sld [smem:$0x3F93];
	s0 =	simm.s32 @p0 $0x1  }
0x13: {  	[smem:$0x3FAE] =	sst s0;
	s0 =	simm.s32 @!p1 $0x0  }
0x14: {  	s2 =	sld [smem:$0x3F92];
	s0 =	simm.s32 @p1 $0x1  }
0x15: {  	[smem:$0x3FAF] =	sst s0;
	s0 =	simm.s32 @!p2 $0x0  }
0x16: {  	s3 =	sld [smem:$0x3FDB];
	s0 =	simm.s32 @p2 $0x1  }
0x17: {  	s4 =	simm.s32 $0x1BF5;
	[smem:$0x3FB1] =	sst s0  }
0x18: {  	s0 =	sld [smem:$0x3F94];
	_ =	swait.ge [sflag:s4], $0x0  }
0x19: {  	s7 =	sld [smem:$0x3F95]  }
0x1a: {  	s8 =	sadd.s32 $0xFFFFE003, lr  }
0x1b: {  	s9 =	sadd.s32 $0xFFFFFEF7, lr;
	s5 =	simm.s32 $0xFFFFFFFF;
	p2 =	slt.u32 s8, $0xFFFFF086  }
0x1c: {  	p1 =	slt.u32 s9, $0xF7A;
	s5 =	simm.s32 @!p2 $0x0  }
0x1d: {  	s5 =	simm.s32 @p1 $0x1;
	p0 =	seq.s32 s7, s2  }
0x1e: {  	s7 =	smul.u32 @!p0 $0xF7A, s2;
	p2 =	seq.s32 @!p0 s5, $0x0  }
0x1f: {  	s9 =	smul.u32 $0xF7A, s1;
	s8 =	simm.s32 @!p0 $0x1BF5;
	p2 =	por !p2, p0  }
0x20: {  	[sflag:s8] =	ssyncset.s32 @!p0 $0xFFFFF086;
	s6 =	sadd.s32 @!p0 s3, s7;
	s7 =	simm.s32 @!p0 $0x108  }
0x21: {  	s3 =	sadd.s32 s3, s9;
	s6 =	sadd.s32 @!p0 $0x88, s6;
	s7 =	simm.s32 @p2 $0x1082  }
0x22: {  	[simem:s7], [sflag:s8] =	dma.local @!p0 [hbm:s6], $0xF7A  }
0x23: {  	s9 =	sor.u32 $0xD0000000, s2;
	s6 =	simm.s32 $0x108;
	_ =	swait.ge @!p0 [sflag:s8], $0x0  }
0x24: {  	s3 =	sadd.s32 $0x88, s3;
	s6 =	simm.s32 @!p1 $0x1082;
	[sflag:s4] =	ssyncset.s32 $0xFFFFF086  }
0x25: {  	[simem:s6], [sflag:s4] =	dma.local [hbm:s3], $0xF7A  }
0x26: {  	[smem:$0x3F95] =	sst s1;
	(tag) =	ssettag s2;
	_ =	strace s9  }
0x27: {  	s1 =	sld [smem:$0x3FA5]  }
0x28: {  	s2 =	sld [smem:$0x3FA6]  }
0x29: {  	s4 =	sld [smem:$0x3FA8]  }
0x2a: {  	p0 =	seq.s32 s5, $0x0;
	s5 =	sld [smem:$0x3FA9]  }
0x2b: {  	s6 =	sld [smem:$0x3FAA]  }
0x2c: {  	s7 =	sld [smem:$0x3FAB]  }
0x2d: {  	s3 =	simm.s32 $0x108;
	s8 =	sld [smem:$0x3FAC]  }
0x2e: {  	s3 =	simm.s32 @!p0 $0x1082;
	s9 =	sld [smem:$0x3FAD]  }
0x2f: {  	lr =	sadd.s32 s0, s3;
	s0 =	sld [smem:$0x3FA4]  }
0x30: {  	s3 =	sld [smem:$0x3FA7]  }
0x31: {  	[smem:$0x3FB0] =	sst s10  }
0x32: {  	s10 =	sld [smem:$0x3FAE];
	_ =	sdelay $0x3  }
0x33: {  	p0 =	seq.s32 s10, $0x1;
	s10 =	sld [smem:$0x3FB0];
	_ =	sdelay $0x3  }
0x34: {  	[smem:$0x3FB0] =	sst s10  }
0x35: {  	s10 =	sld [smem:$0x3FAF];
	_ =	sdelay $0x3  }
0x36: {  	p1 =	seq.s32 s10, $0x1;
	s10 =	sld [smem:$0x3FB0];
	_ =	sdelay $0x3  }
0x37: {  	[smem:$0x3FB0] =	sst s10  }
0x38: {  	s10 =	sld [smem:$0x3FB1]  }
0x39: {  	_ = 	snop;
	(pc) =	sbr.ind lr, $3  }
0x3a: {  	_ = 	snop  }
0x3b: {  	_ = 	snop  }
0x3c: {  	p2 =	seq.s32 s10, $0x1;
	s10 =	sld [smem:$0x3FB0]  }
0x3d: {  	_ =	shalt  }
0x3e: {  	_ =	shalt  }
0x3f: {  	_ =	shalt  }
0x40: {  	_ =	shalt  }
0x41: {  	_ =	shalt  }
0x42: {  	_ =	shalt  }
0x43: {  	_ =	shalt  }
0x44: {  	_ =	shalt  }
0x45: {  	_ =	shalt  }
0x46: {  	_ =	shalt  }
0x47: {  	_ =	shalt  }
0x48: {  	_ =	shalt  }
0x49: {  	_ =	shalt  }
0x4a: {  	_ =	shalt  }
0x4b: {  	_ =	shalt  }
0x4c: {  	_ =	shalt  }
0x4d: {  	_ =	shalt  }
0x4e: {  	_ =	shalt  }
0x4f: {  	_ =	shalt  }
0x50: {  	_ =	shalt  }
0x51: {  	_ =	shalt  }
0x52: {  	_ =	shalt  }
0x53: {  	_ =	shalt  }
0x54: {  	_ =	shalt  }
0x55: {  	_ =	shalt  }
0x56: {  	_ =	shalt  }
0x57: {  	_ =	shalt  }
0x58: {  	_ =	shalt  }
0x59: {  	_ =	shalt  }
0x5a: {  	_ =	shalt  }
0x5b: {  	_ =	shalt  }
0x5c: {  	_ =	shalt  }
0x5d: {  	_ =	shalt  }
0x5e: {  	_ =	shalt  }
0x5f: {  	_ =	shalt  }
0x60: {  	_ =	shalt  }
0x61: {  	_ =	shalt  }
0x62: {  	_ =	shalt  }
0x63: {  	_ =	shalt  }
0x64: {  	_ =	shalt  }
0x65: {  	_ =	shalt  }
0x66: {  	_ =	shalt  }
0x67: {  	_ =	shalt  }
0x68: {  	_ =	shalt  }
0x69: {  	_ =	shalt  }
0x6a: {  	_ =	shalt  }
0x6b: {  	_ =	shalt  }
0x6c: {  	_ =	shalt  }
0x6d: {  	_ =	shalt  }
0x6e: {  	_ =	shalt  }
0x6f: {  	_ =	shalt  }
0x70: {  	_ =	shalt  }
0x71: {  	_ =	shalt  }
0x72: {  	_ =	shalt  }
0x73: {  	_ =	shalt  }
0x74: {  	_ =	shalt  }
0x75: {  	_ =	shalt  }
0x76: {  	_ =	shalt  }
0x77: {  	_ =	shalt  }
0x78: {  	_ =	shalt  }
0x79: {  	_ =	shalt  }
0x7a: {  	_ =	shalt  }
0x7b: {  	_ =	shalt  }
0x7c: {  	_ =	shalt  }
0x7d: {  	_ =	shalt  }
0x7e: {  	_ =	shalt  }
0x7f: {  	_ =	shalt  }
0x80: {  	_ =	shalt  }
0x81: {  	_ =	shalt  }
0x82: {  	_ =	shalt  }
0x83: {  	_ =	shalt  }
0x84: {  	_ =	shalt  }
0x85: {  	_ =	shalt  }
0x86: {  	_ =	shalt  }
0x87: {  	_ =	shalt  }
.Lfunc_end0:
.L_simem_size_0:
called_computation_lowered:
.L_overlay_start_0:
0x88: {  	s2 =	sld [smem:$0x3FD9]  }
0x89: {  	s3 =	sld [smem:$0x3FFE];
	_ =	sdelay $0x1  }
0x8a: {  	s1 =	srdreg.scid  }
0x8b: {  	s0 =	sand.u32 $0x1, s1  }
0x8c: {  	s14 =	sshll.u32 s0, $0xA;
	s2 =	sadd.s32 s3, s2  }
0x8d: {  	s2 =	sadd.s32 s2, s14  }
0x8e: {  	[smem:$0x3FBC] =	sst s2  }
0x8f: {  	_ = 	snop  }
0x90: {  	s2 =	sld [smem:$0x3FD0];
	_ =	sdelay $0x2  }
0x91: {  	s15 =	simm.s32 $0xA;
	s4 =	simm.s32 $0x10  }
0x92: {  	[smem:s4], [sflag:s15] =	dma.local [hbm:s2], $0x1  }
0x93: {  	_ =	swait.eq [sflag:s15], $0x1  }
0x94: {  	[sflag:s15] =	ssyncset.done $0x0  }
0x95: {  	[sflag:s15] =	ssyncadd.s32 $0xFFFFFFFF  }
0x96: {  	s16 =	sld [smem:$0x12];
	(tm) =	ssettm $0x1  }
0x97: {  	s17 =	sld [smem:$0x3FFB];
	_ =	sdelay $0x3  }
0x98: {  	_ =	strace s17  }
0x99: {  	s3 =	sld [smem:$0x3FFC];
	_ =	sdelay $0x3  }
0x9a: {  	_ =	strace s3  }
0x9b: {  	s3 =	sld [smem:$0x3FFD];
	_ =	sdelay $0x3  }
0x9c: {  	_ =	strace s3  }
0x9d: {  	_ =	strace $0x8FFFFFFF  }
0x9e: {  	s18 =	sld [smem:$0x3FDB];
	_ =	sdelay $0x1  }
0x9f: {  	s19 =	simm.s32 $_scs_section_size  }
0xa0: {  	s5 =	simm.s32 $_size__tile_overlayer_lowered;
	s6 =	simm.s32 $_tile_overlayer_lowered  }
0xa1: {  	s22 =	simm.s32 $0x1BFF;
	s21 =	sshll.u32 s6, $0x1;
	s3 =	sadd.s32 s19, s18  }
0xa2: {  	s7 =	simm.s32 $0x0;
	s20 =	sshll.u32 s5, $0x1;
	s5 =	sadd.s32 s21, s3  }
0xa3: {  	[timem:s7], [sflag:s22] =	dma.local [hbm:s5], s20  }
0xa4: {  	_ =	swait.ge [sflag:s22], s20  }
0xa5: {  	s4 =	ssub.s32 $0x0, s20;
	[sflag:s22] =	ssyncset.done $0x0  }
0xa6: {  	[sflag:s22] =	ssyncadd.s32 s4;
	_ =	sdelay $0x1  }
0xa7: {  	s23 =	simm.s32 $0x1B8B  }
0xa8: {  	_ =	swait.ge [sflag:s23], $0x1  }
0xa9: {  	[sflag:s23] =	ssyncset.done $0x0  }
0xaa: {  	s25 =	simm.s32 $0x1B8E;
	s24 =	sld [smem:$0x3FFE];
	[sflag:s23] =	ssyncadd.s32 $0xFFFFFFFF  }
0xab: {  	s26 =	simm.s32 $execute0_lowered;
	[smem:$0x3FD2] =	sst s25  }
0xac: {  	s5 =	sshll.u32 s26, $0x1;
	_ =	strace $0x80000046;
	[dreg:$0x1] =	wrdreg $0xFFFFFFFF  }
0xad: {  	s28 =	simm.s32 $_size_execute0_lowered;
	s3 =	sadd.s32 s3, s5;
	[dreg:$0x0] =	wrdreg $0x0  }
0xae: {  	s5 =	sshll.u32 s28, $0x1;
	[dreg:$0x2] =	wrdreg s3  }
0xaf: {  	[dreg:$0x3] =	wrdreg s5  }
0xb0: {  	[dreg:$0x4] =	wrdreg $0xC0  }
0xb1: {  	_ =	task [dreg:s7], $0x5FFFF  }
0xb2: {  	[dreg:$0x1] =	wrdreg $0xFFFFFFFF  }
0xb3: {  	[dreg:$0x0] =	wrdreg $0x60  }
0xb4: {  	[dreg:$0x2] =	wrdreg s16  }
0xb5: {  	[dreg:$0x3] =	wrdreg s24  }
0xb6: {  	[dreg:$0x4] =	wrdreg $0x9  }
0xb7: {  	_ =	task.clear_ibuf [dreg:s7], $0x5FFFF;
	_ =	strace $0x90000046  }
0xb8: {  	s29 =	simm.s32 $0x9;
	_ =	strace $0x80000048  }
0xb9: {  	_ =	swait.ge [sflag:s29], $0x1  }
0xba: {  	[sflag:s29] =	ssyncadd.s32 $0xFFFFFFFF  }
0xbb: {  	_ =	strace $0x90000048  }
0xbc: {  	_ =	sfence  }
0xbd: {  	s30 =	sld [smem:$0x0];
	_ =	sdelay $0x2  }
0xbe: {  	s31 =	sshll.u32 s1, $0xD;
	s1 =	sshrl.u32 s1, $0x2  }
0xbf: {  	s3 =	sand.u32 $0x4000, s31;
	s1 =	sadd.s32 s1, s30  }
0xc0: {  	s0 =	sor.u32 s3, s0;
	s1 =	sshll.u32 s1, $0x11  }
0xc1: {  	s0 =	sor.u32 s1, s0  }
0xc2: {  	s0 =	sadd.s32 $0x8F2B, s0  }
0xc3: {  	[sflag:s0] =	ssyncadd.remote.s32 $0x1  }
0xc4: {  	_ =	sfence.sel $0xFFFF  }
0xc5: {  	[dreg:$0x0] =	wrdreg $0xFFFFFFFF;
	(pc) =	sbr.abs _section_cstart, $3  }
0xc6: {  	[dreg:$0x1] =	wrdreg $0xFFFFFFFF  }
0xc7: {  	_ =	task.clear_ibuf [dreg:s7], $0x2FFFF;
	_ =	strace $0x9FFFFFFF  }
0xc8: {  	(tm) =	ssettm $0x7FFFFFFF  }
0xc9: {  	_ =	shalt  }
tec
execute0_lowered:
.L_overlay_start_1:
0x0: {  	(tag) =	ssettag $0x1  }
0x1: {  	s1 =	srdreg.scid;
	s5 =	rddreg [dreg:$0x0]  }
0x2: {  	s0 =	stileid.u32;
	s6 =	rddreg [dreg:$0x1]  }
0x3: {  	s2 =	simm.s32 $0x0;
	s3 =	sand.u32 $0x1, s1;
	s31 =	sshll.u32 s0, $0x1  }
0x4: {  	s11 =	simm.s32 $0x0;
	s1 =	rddreg [dreg:$0x2];
	s9 =	sor.u32 s3, s31  }
0x5: {  	[smem:$0x7FF] =	sst s2;
	s3 =	ssub.s32 $0x2, s3;
	s4 =	smul.u32 $0x30E, s9  }
0x6: {  	_ =	strace $0x80000047;
	s7 =	smul.u32 $0x300, s9;
	s10 =	sshrl.u32 s3, $0x1  }
0x7: {  	p0 =	seq.s32 s9, $0x1F;
	s9 =	simm.s32 $0x3100;
	s10 =	ssub.s32 s3, s10  }
0x8: {  	s8 =	sadd.s32 s4, s6;
	s7 =	sadd.s32 s7, s6;
	s3 =	sadd.s32 s5, s4  }
0x9: {  	s5 =	sadd.s32 $0x5EB2, s5;
	s6 =	sadd.s32 $0x6AB2, s6;
	s4 =	sadd.s32 $0xC00, s8  }
0xa: {  	v0 =	vimm.f32 $0.0e+00;
	s7 =	sadd.s32 $0x6E00, s7;
	s8 =	smax.u32 s10, $0x1;
	s10 =	simm.s32 $0x1  }
.LBB2_1:
0xb: {  	[tilespmem:$0x3100] =	vst v0  }
0xc: {  	[tilespmem:$0x3180] =	vst v0  }
0xd: {  	[tilespmem:$0x3200] =	vst v0  }
0xe: {  	[tilespmem:$0x3280] =	vst v0  }
0xf: {  	[tilespmem:$0x3300] =	vst v0  }
0x10: {  	[tilespmem:$0x3380] =	vst v0  }
0x11: {  	[tilespmem:$0x3400] =	vst v0  }
0x12: {  	[tilespmem:$0x3480] =	vst v0  }
0x13: {  	[tilespmem:$0x3500] =	vst v0  }
0x14: {  	[tilespmem:$0x3580] =	vst v0  }
0x15: {  	[tilespmem:$0x3600] =	vst v0  }
0x16: {  	[tilespmem:$0x3680] =	vst v0  }
0x17: {  	[tilespmem:$0x3700] =	vst v0  }
0x18: {  	[tilespmem:$0x3780] =	vst v0  }
0x19: {  	[tilespmem:$0x3800] =	vst v0  }
0x1a: {  	[tilespmem:$0x3880] =	vst v0  }
0x1b: {  	[tilespmem:$0x3900] =	vst v0  }
0x1c: {  	[tilespmem:$0x3980] =	vst v0  }
0x1d: {  	[tilespmem:$0x3A00] =	vst v0  }
0x1e: {  	[tilespmem:$0x3A80] =	vst v0  }
0x1f: {  	[tilespmem:$0x3B00] =	vst v0  }
0x20: {  	[tilespmem:$0x3B80] =	vst v0  }
0x21: {  	[tilespmem:$0x3C00] =	vst v0  }
0x22: {  	[tilespmem:$0x3C80] =	vst v0  }
0x23: {  	[tilespmem:$0x3D00] =	vst v0  }
0x24: {  	[tilespmem:$0x3D80] =	vst v0  }
0x25: {  	[tilespmem:$0x3E00] =	vst v0  }
0x26: {  	[tilespmem:$0x3E80] =	vst v0  }
0x27: {  	[tilespmem:$0x3F00] =	vst v0  }
0x28: {  	[tilespmem:$0x3F80] =	vst v0  }
0x29: {  	[tilespmem:$0x4000] =	vst v0  }
0x2a: {  	[tilespmem:$0x4080] =	vst v0  }
0x2b: {  	[tilespmem:$0x4100] =	vst v0  }
0x2c: {  	[tilespmem:$0x4180] =	vst v0  }
0x2d: {  	[tilespmem:$0x4200] =	vst v0  }
0x2e: {  	[tilespmem:$0x4280] =	vst v0  }
0x2f: {  	[tilespmem:$0x4300] =	vst v0  }
0x30: {  	[tilespmem:$0x4380] =	vst v0  }
0x31: {  	[tilespmem:$0x4400] =	vst v0  }
0x32: {  	[tilespmem:$0x4480] =	vst v0  }
0x33: {  	[tilespmem:$0x4500] =	vst v0  }
0x34: {  	[tilespmem:$0x4580] =	vst v0  }
0x35: {  	[tilespmem:$0x4600] =	vst v0  }
0x36: {  	[tilespmem:$0x4680] =	vst v0  }
0x37: {  	[tilespmem:$0x4700] =	vst v0  }
0x38: {  	[tilespmem:$0x4780] =	vst v0  }
0x39: {  	[tilespmem:$0x4800] =	vst v0  }
0x3a: {  	[tilespmem:$0x4880] =	vst v0;
	s12 =	simm.s32 @p0 $0x0;
	s13 =	simm.s32 @p0 $0x1  }
0x3b: {  	[tilespmem:s12], [sflag:$0x1] =	stream.linear.gather @p0 [hbm4b:s5+s12], $0x17B0, $0x38;
	[tilespmem:$0x4900] =	vst v63  }
0x3c: {  	_ =	swait.ge @p0 [sflag:s13], $0x17B0  }
0x3d: {  	[sflag:s13] =	ssyncset.done @p0 $0x0  }
0x3e: {  	s14 =	simm.s32 @p0 $0x1880;
	[sflag:s13] =	ssyncadd.s32 @p0 $0xFFFFE850  }
0x3f: {  	[tilespmem:s14], [sflag:$0x1] =	stream.linear.gather @p0 [hbm4b:s6+s12], $0x17B0, $0x38;
	[tilespmem:$0x4900] =	vst v63  }
0x40: {  	_ =	swait.ge @p0 [sflag:s13], $0x17B0  }
0x41: {  	[sflag:s13] =	ssyncset.done @p0 $0x0  }
0x42: {  	v1 =	vimm.s32 @p0 $0x0;
	[sflag:s13] =	ssyncadd.s32 @p0 $0xFFFFE850  }
0x43: {  	v2 =	vimm.f32 @p0 $0.0e+00;
	[tilespmem:$0x17B0] =	vst @p0 v1  }
0x44: {  	[tilespmem:$0x3030] =	vst @p0 v2  }
0x45: {  	[tilespmem:$0x17C0] =	vst @p0 v1  }
0x46: {  	[tilespmem:$0x3040] =	vst @p0 v2  }
0x47: {  	[tilespmem:$0x17D0] =	vst @p0 v1  }
0x48: {  	[tilespmem:$0x3050] =	vst @p0 v2  }
0x49: {  	[tilespmem:$0x17E0] =	vst @p0 v1  }
0x4a: {  	[tilespmem:$0x3060] =	vst @p0 v2  }
0x4b: {  	[tilespmem:$0x17F0] =	vst @p0 v1  }
0x4c: {  	[tilespmem:$0x3070] =	vst @p0 v2  }
0x4d: {  	[tilespmem:$0x1800] =	vst @p0 v1  }
0x4e: {  	[tilespmem:$0x3080] =	vst @p0 v2  }
0x4f: {  	[tilespmem:$0x1810] =	vst @p0 v1  }
0x50: {  	[tilespmem:$0x3090] =	vst @p0 v2  }
0x51: {  	[tilespmem:$0x1820] =	vst @p0 v1  }
0x52: {  	[tilespmem:$0x30A0] =	vst @p0 v2  }
0x53: {  	[tilespmem:$0x1830] =	vst @p0 v1  }
0x54: {  	[tilespmem:$0x30B0] =	vst @p0 v2  }
0x55: {  	[tilespmem:$0x1840] =	vst @p0 v1  }
0x56: {  	[tilespmem:$0x30C0] =	vst @p0 v2  }
0x57: {  	[tilespmem:$0x1850] =	vst @p0 v1  }
0x58: {  	[tilespmem:$0x30D0] =	vst @p0 v2  }
0x59: {  	[tilespmem:$0x1860] =	vst @p0 v1  }
0x5a: {  	s12 =	simm.s32 @!p0 $0x0;
	s13 =	simm.s32 @!p0 $0x1;
	[tilespmem:$0x30E0] =	vst @p0 v2  }
0x5b: {  	[tilespmem:s12], [sflag:$0x1] =	stream.linear.gather @!p0 [hbm4b:s3+s12], $0x1870, $0x38;
	[tilespmem:$0x4900] =	vst v63  }
0x5c: {  	_ =	swait.ge @!p0 [sflag:s13], $0x1870  }
0x5d: {  	[sflag:s13] =	ssyncset.done @!p0 $0x0  }
0x5e: {  	s14 =	simm.s32 @!p0 $0x1880;
	[sflag:s13] =	ssyncadd.s32 @!p0 $0xFFFFE790  }
0x5f: {  	[tilespmem:s14], [sflag:$0x1] =	stream.linear.gather @!p0 [hbm4b:s4+s12], $0x1870, $0x38;
	[tilespmem:$0x4900] =	vst v63  }
0x60: {  	_ =	swait.ge @!p0 [sflag:s13], $0x1870  }
0x61: {  	[sflag:s13] =	ssyncset.done @!p0 $0x0  }
0x62: {  	s31 =	simm.s32 $0x0;
	[sflag:s13] =	ssyncadd.s32 @!p0 $0xFFFFE790  }
0x63: {  	v9 =	vld [tilespmem:s31+$0x0]  }
0x64: {  	v32 =	vimm.f32 $0.0e+00;
	v26 =	vimm.f32 $0.0e+00;
	v25 =	vimm.f32 $0.0e+00  }
0x65: {  	v41 =	vimm.f32 $0.0e+00;
	v37 =	vimm.f32 $0.0e+00;
	v20 =	vimm.f32 $0.0e+00  }
0x66: {  	v34 =	vimm.f32 $0.0e+00;
	v22 =	vimm.f32 $0.0e+00;
	v43 =	vimm.f32 $0.0e+00  }
0x67: {  	v39 =	vimm.f32 $0.0e+00;
	v36 =	vimm.f32 $0.0e+00;
	v28 =	vimm.f32 $0.0e+00  }
0x68: {  	v24 =	vimm.f32 $0.0e+00;
	vm4 =	veq.s32 v9, $0x0;
	vm8 =	veq.s32 v9, $0x1  }
0x69: {  	v2 =	vld [tilespmem:s31+$0x1880];
	vm5 =	veq.s32 v9, $0x3;
	vm3 =	veq.s32 v9, $0x4;
	vm1 =	veq.s32 v9, $0x6  }
0x6a: {  	vm0 =	veq.s32 v9, $0x7;
	vm9 =	veq.s32 v9, $0x9;
	vm7 =	veq.s32 v9, $0xA  }
0x6b: {  	vm6 =	veq.s32 v9, $0x5;
	vm2 =	veq.s32 v9, $0x12;
	vm10 =	veq.s32 v9, $0xC  }
0x6c: {  	vm11 =	veq.s32 v9, $0xD;
	vm12 =	veq.s32 v9, $0x13;
	vm13 =	veq.s32 v9, $0x8  }
0x6d: {  	vm14 =	veq.s32 v9, $0x2;
	vm15 =	veq.s32 v9, $0xB;
	v1 =	vsel vm7, $0x3F800000, v0  }
0x6e: {  	v3 =	vsel vm3, $0x3F800000, v0;
	v6 =	vnsel vm1, $0x0, v2;
	v7 =	vnsel vm9, $0x0, v2  }
0x6f: {  	v4 =	vsel vm5, $0x3F800000, v0;
	v10 =	vnsel vm7, $0x0, v2;
	v15 =	vnsel vm4, $0x0, v2  }
0x70: {  	vm7 =	veq.s32 v9, $0x10;
	vm4 =	veq.s32 v9, $0x11;
	v42 =	vnsel vm0, $0x0, v2  }
0x71: {  	v12 =	vsel vm10, $0x3F800000, v0;
	v40 =	vnsel vm10, $0x0, v2;
	v38 =	vnsel vm12, $0x0, v2  }
0x72: {  	v16 =	vnsel vm8, $0x0, v2;
	v17 =	vnsel vm11, $0x0, v2;
	vm8 =	veq.s32 v9, $0xE  }
0x73: {  	v44 =	vsel vm13, $0x3F800000, v0;
	v19 =	vnsel vm13, $0x0, v2;
	v45 =	vsel vm15, $0x3F800000, v0  }
0x74: {  	v49 =	vsel vm14, $0x3F800000, v0;
	v1 =	vadd.f32 v1, v0;
	v5 =	vadd.f32 v4, v0  }
0x75: {  	v11 =	vsel vm4, $0x3F800000, v0;
	v4 =	vsel vm9, $0x3F800000, v0;
	v8 =	vadd.f32 v3, v0  }
0x76: {  	v13 =	vadd.f32 v6, v0;
	v6 =	vsel vm11, $0x3F800000, v0;
	v14 =	vadd.f32 v7, v0  }
0x77: {  	v7 =	vsel vm12, $0x3F800000, v0;
	v23 =	vadd.f32 v15, v0;
	v15 =	vnsel vm14, $0x0, v2  }
0x78: {  	v18 =	vadd.f32 v10, v0;
	v10 =	vnsel vm8, $0x0, v2;
	v46 =	vnsel vm7, $0x0, v2  }
0x79: {  	v29 =	vadd.f32 v16, v0;
	v16 =	vnsel vm6, $0x0, v2;
	v30 =	vadd.f32 v19, v0  }
0x7a: {  	v47 =	vsel vm8, $0x3F800000, v0;
	v4 =	vadd.f32 v4, v0;
	v3 =	vadd.f32 v11, v0  }
0x7b: {  	v19 =	vimm.f32 $0.0e+00;
	v11 =	vadd.f32 v17, v0;
	v6 =	vadd.f32 v6, v0  }
0x7c: {  	v17 =	vnsel vm5, $0x0, v2;
	v7 =	vadd.f32 v7, v0;
	vm5 =	veq.s32 v9, $0xF  }
0x7d: {  	v33 =	vadd.f32 v15, v0;
	v15 =	vsel vm6, $0x3F800000, v0;
	v9 =	vsel vm7, $0x3F800000, v0  }
0x7e: {  	v21 =	vadd.f32 v10, v0;
	v10 =	vsel vm2, $0x3F800000, v0;
	v35 =	vadd.f32 v16, v0  }
0x7f: {  	v27 =	vadd.f32 v17, v0;
	v17 =	vnsel vm15, $0x0, v2;
	v9 =	vadd.f32 v9, v0  }
0x80: {  	v48 =	vnsel vm5, $0x0, v2;
	v16 =	vadd.f32 v15, v0;
	v10 =	vadd.f32 v10, v0  }
0x81: {  	s12 =	simm.s32 $0x40;
	v15 =	vimm.f32 $0.0e+00;
	v31 =	vadd.f32 v17, v0;
	v17 =	vimm.f32 $0.0e+00  }
.LBB2_2:
0x82: {  	s13 =	sshra.s32 s12, $0x2;
	p1 =	sne.s32 s12, $0x6180;
	s12 =	sadd.s32 $0x40, s12;
	v50 =	vsel vm5, $0x3F800000, v0;
	v32 =	vadd.f32 v46, v32;
	v26 =	vadd.f32 v38, v26  }
0x83: {  	v25 =	vadd.f32 v49, v25;
	v41 =	vadd.f32 v42, v41;
	v38 =	vnsel vm4, $0x0, v2;
	v51 =	vld [tilespmem:s13+$0x0]  }
0x84: {  	v42 =	vsel vm1, $0x3F800000, v0;
	v37 =	vadd.f32 v40, v37;
	v15 =	vadd.f32 v47, v15  }
0x85: {  	v40 =	vsel vm0, $0x3F800000, v0;
	v20 =	vadd.f32 v44, v20;
	v34 =	vadd.f32 v38, v34  }
0x86: {  	v19 =	vadd.f32 v12, v19;
	v38 =	vnsel vm3, $0x0, v2;
	v22 =	vadd.f32 v40, v22  }
0x87: {  	v39 =	vadd.f32 v48, v39;
	v12 =	vnsel vm2, $0x0, v2;
	v43 =	vadd.f32 v38, v43;
	v2 =	vld [tilespmem:s13+$0x1880]  }
0x88: {  	v17 =	vadd.f32 v50, v17;
	vm4 =	veq.s32 v51, $0x0;
	vm8 =	veq.s32 v51, $0x1  }
0x89: {  	v36 =	vadd.f32 v12, v36;
	vm5 =	veq.s32 v51, $0x3;
	vm3 =	veq.s32 v51, $0x4  }
0x8a: {  	v28 =	vadd.f32 v42, v28;
	vm1 =	veq.s32 v51, $0x6;
	vm0 =	veq.s32 v51, $0x7  }
0x8b: {  	v24 =	vadd.f32 v45, v24;
	vm9 =	veq.s32 v51, $0x9;
	vm7 =	veq.s32 v51, $0xA  }
0x8c: {  	vm6 =	veq.s32 v51, $0x5;
	vm2 =	veq.s32 v51, $0x12;
	v12 =	vsel vm7, $0x3F800000, v0  }
0x8d: {  	v44 =	vsel vm3, $0x3F800000, v0;
	v45 =	vnsel vm1, $0x0, v2;
	v46 =	vnsel vm9, $0x0, v2  }
0x8e: {  	v38 =	vsel vm5, $0x3F800000, v0;
	v1 =	vadd.f32 v12, v1;
	v47 =	vnsel vm7, $0x0, v2  }
0x8f: {  	vm10 =	veq.s32 v51, $0xC;
	vm11 =	veq.s32 v51, $0xD;
	v48 =	vnsel vm4, $0x0, v2  }
0x90: {  	vm12 =	veq.s32 v51, $0x13;
	vm7 =	veq.s32 v51, $0x10;
	vm4 =	veq.s32 v51, $0x11  }
0x91: {  	v5 =	vadd.f32 v38, v5;
	v12 =	vsel vm10, $0x3F800000, v0;
	v42 =	vnsel vm0, $0x0, v2  }
0x92: {  	v40 =	vnsel vm10, $0x0, v2;
	v38 =	vnsel vm12, $0x0, v2;
	v49 =	vsel vm4, $0x3F800000, v0  }
0x93: {  	v8 =	vadd.f32 v44, v8;
	v44 =	vsel vm9, $0x3F800000, v0;
	v50 =	vnsel vm8, $0x0, v2  }
0x94: {  	v4 =	vadd.f32 v44, v4;
	v44 =	vnsel vm11, $0x0, v2;
	v3 =	vadd.f32 v49, v3  }
0x95: {  	vm8 =	veq.s32 v51, $0xE;
	v13 =	vadd.f32 v45, v13;
	v45 =	vsel vm11, $0x3F800000, v0  }
0x96: {  	vm10 =	veq.s32 v51, $0x8;
	v14 =	vadd.f32 v46, v14;
	v11 =	vadd.f32 v44, v11  }
0x97: {  	vm9 =	veq.s32 v51, $0x2;
	v6 =	vadd.f32 v45, v6;
	v45 =	vsel vm12, $0x3F800000, v0  }
0x98: {  	v23 =	vadd.f32 v48, v23;
	v48 =	vnsel vm9, $0x0, v2;
	v44 =	vsel vm10, $0x3F800000, v0  }
0x99: {  	v52 =	vnsel vm10, $0x0, v2;
	v49 =	vnsel vm5, $0x0, v2;
	v7 =	vadd.f32 v45, v7  }
0x9a: {  	v18 =	vadd.f32 v47, v18;
	v46 =	vnsel vm7, $0x0, v2;
	v45 =	vnsel vm8, $0x0, v2  }
0x9b: {  	vm10 =	veq.s32 v51, $0xB;
	vm5 =	veq.s32 v51, $0xF;
	v27 =	vadd.f32 v49, v27  }
0x9c: {  	v29 =	vadd.f32 v50, v29;
	v47 =	vnsel vm6, $0x0, v2;
	v49 =	vnsel vm10, $0x0, v2  }
.Ltmp0:
0x9d: {  	v50 =	vsel vm6, $0x3F800000, v0;
	v33 =	vadd.f32 v48, v33;
	v51 =	vsel vm7, $0x3F800000, v0;
	(pc) =	sbr.rel @p1 .LBB2_2-.Ltmp0, $4  }
0x9e: {  	v48 =	vnsel vm5, $0x0, v2;
	v9 =	vadd.f32 v51, v9;
	v21 =	vadd.f32 v45, v21  }
0x9f: {  	v30 =	vadd.f32 v52, v30;
	v51 =	vsel vm2, $0x3F800000, v0;
	v45 =	vsel vm10, $0x3F800000, v0  }
0xa0: {  	v35 =	vadd.f32 v47, v35;
	v47 =	vsel vm8, $0x3F800000, v0;
	v31 =	vadd.f32 v49, v31  }
0xa1: {  	v16 =	vadd.f32 v50, v16;
	v49 =	vsel vm9, $0x3F800000, v0;
	v10 =	vadd.f32 v51, v10  }
0xa2: {  	[tilespmem:$0x3100] =	vst v23  }
0xa3: {  	[tilespmem:$0x3180] =	vst v29  }
0xa4: {  	[tilespmem:$0x3200] =	vst v33  }
0xa5: {  	[tilespmem:$0x3280] =	vst v27  }
0xa6: {  	[tilespmem:$0x3380] =	vst v35  }
0xa7: {  	[tilespmem:$0x3400] =	vst v13  }
0xa8: {  	[tilespmem:$0x3500] =	vst v30  }
0xa9: {  	[tilespmem:$0x3580] =	vst v14  }
0xaa: {  	[tilespmem:$0x3600] =	vst v18  }
0xab: {  	[tilespmem:$0x3680] =	vst v31  }
0xac: {  	[tilespmem:$0x3780] =	vst v11  }
0xad: {  	[tilespmem:$0x3800] =	vst v21  }
0xae: {  	[tilespmem:$0x3E80] =	vst v5  }
0xaf: {  	[tilespmem:$0x3F00] =	vst v8  }
0xb0: {  	[tilespmem:$0x4180] =	vst v4  }
0xb1: {  	[tilespmem:$0x4200] =	vst v1  }
0xb2: {  	[tilespmem:$0x4380] =	vst v6  }
0xb3: {  	[tilespmem:$0x4500] =	vst v9  }
0xb4: {  	[tilespmem:$0x4580] =	vst v3  }
0xb5: {  	[tilespmem:$0x4680] =	vst v7  }
0xb6: {  	v54 =	vadd.f32 v42, v41;
	[tilespmem:$0x3F80] =	vst v16  }
0xb7: {  	v55 =	vadd.f32 v40, v37;
	[tilespmem:$0x4600] =	vst v10  }
0xb8: {  	v56 =	vadd.f32 v48, v39;
	[tilespmem:$0x3480] =	vst v54  }
0xb9: {  	v57 =	vadd.f32 v46, v32;
	[tilespmem:$0x3700] =	vst v55  }
0xba: {  	v59 =	vadd.f32 v38, v26;
	[tilespmem:$0x3880] =	vst v56  }
0xbb: {  	v60 =	vadd.f32 v49, v25;
	[tilespmem:$0x3900] =	vst v57  }
0xbc: {  	v53 =	vnsel vm3, $0x0, v2;
	v62 =	vadd.f32 v44, v20;
	[tilespmem:$0x3A80] =	vst v59  }
0xbd: {  	v58 =	vnsel vm4, $0x0, v2;
	v2 =	vnsel vm2, $0x0, v2;
	v63 =	vadd.f32 v12, v19;
	[tilespmem:$0x3E00] =	vst v60  }
0xbe: {  	v2 =	vadd.f32 v2, v36;
	[tilespmem:$0x4100] =	vst v62  }
0xbf: {  	v23 =	vadd.f32 v53, v43;
	[tilespmem:$0x4300] =	vst v63  }
0xc0: {  	v14 =	vadd.f32 v58, v34;
	[tilespmem:$0x3A00] =	vst v2;
	v2 =	vsel vm1, $0x3F800000, v0  }
0xc1: {  	v61 =	vsel vm0, $0x3F800000, v0;
	[tilespmem:$0x3300] =	vst v23;
	v2 =	vadd.f32 v2, v28  }
0xc2: {  	v5 =	vadd.f32 v61, v22;
	[tilespmem:$0x3980] =	vst v14  }
0xc3: {  	v1 =	vsel vm5, $0x3F800000, v0;
	[tilespmem:$0x4000] =	vst v2;
	v2 =	vadd.f32 v45, v24  }
0xc4: {  	v1 =	vadd.f32 v1, v17;
	[tilespmem:$0x4080] =	vst v5  }
0xc5: {  	s11 =	sadd.s32 $0x1, s11;
	[tilespmem:$0x4280] =	vst v2;
	v2 =	vadd.f32 v47, v15  }
0xc6: {  	p1 =	sne.s32 s11, s8;
	[tilespmem:$0x4480] =	vst v1  }
.Ltmp1:
0xc7: {  	[tilespmem:$0x4400] =	vst v2;
	(pc) =	sbr.rel @p1 .LBB2_1-.Ltmp1, $4  }
0xc8: {  	[hbm4b:s7+s2] =	stream.linear.scatter [tilespmem:s9], [sflag:$0x1], $0x1800, $0x38;
	[tilespmem:$0x4900] =	vst v63  }
0xc9: {  	_ =	swait.ge [sflag:s10], $0x1800  }
0xca: {  	[sflag:s10] =	ssyncset.done $0x0  }
0xcb: {  	[sflag:s10] =	ssyncadd.s32 $0xFFFFE800  }
0xcc: {  	_ =	sfence.sel $0x180000  }
0xcd: {  	[bflag:$0x0] =	sbarrier.arrive $0xFFFF  }
0xce: {  	p0 =	sne.s32 s0, $0x0;
	_ =	strace $0x90000047  }
0xcf: {  	s0 =	sadd.s32 @!p0 $0x100000, s1;
	[bflag:$0x2] =	sbarrier.arrive $0xFFFF  }
0xd0: {  	[sflag:s0] =	ssyncadd.tile.s32 @!p0 $0x1;
	_ =	shalt  }
.Lfunc_end2:
_tile_overlayer_lowered:
.L_overlay_start_2:
0xd1: {  	(tag) =	ssettag $0x2  }
0xd2: {  	s0 =	rddreg [dreg:$0x0];
	s2 =	stileid.u32  }
0xd3: {  	s1 =	rddreg [dreg:$0x1];
	p0 =	sne.s32 s2, $0x0  }
0xd4: {  	s3 =	rddreg [dreg:$0x2];
	[bflag:$0x3] =	sbarrier.arrive $0xFFFF;
	s2 =	simm.s32 @!p0 $0x1C01  }
0xd5: {  	[timem:s3], [sflag:s2] =	dma.local @!p0 [hbm:s0], s1  }
0xd6: {  	s0 =	simm.s32 @!p0 $0x1  }
0xd7: {  	_ =	swait.ge @!p0 [sflag:s0], s1  }
0xd8: {  	s1 =	ssub.s32 @!p0 $0x0, s1;
	[sflag:s0] =	ssyncset.done @!p0 $0x0  }
0xd9: {  	[sflag:s0] =	ssyncadd.s32 @!p0 s1  }
0xda: {  	[bflag:$0x3] =	sbarrier.arrive $0xFFFF  }
0xdb: {  	_ =	shalt  }

</sc_bundles>
